<compile_context>
chip_gen: v7x
topology: tpu7x:2x2x1
jax: 0.10.2.dev20260603
libtpu: 0.0.44.dev20260713+nightly
codegen_flags: <defaults>
</compile_context>

<pallas_src>
import functools

import jax
import jax.numpy as jnp
from jax import lax
from jax.experimental import pallas as pl
from jax.experimental.pallas import tpu as pltpu
from jax.experimental.pallas import tpu_sc as plsc

NC = 2
NS = 16
NW = NC * NS
LN = 16
G = 80


def _leaky(x):
    return jnp.where(x >= 0, x, 0.01 * x)


def _pick_block(E):
    for k in (8000, 6400, 2560, 1280, 640, 320, 160, 80, 16, 8):
        if E % k == 0:
            return k
    return E


def _body1(B, D, K,
           ef_ref, Wl_ref, Wp_ref, bp_ref, g_ref,
           q_ref, hv_ref, sg_ref):
    j = pl.program_id(0)

    @pl.when(j == 0)
    def _():
        sg_col = _leaky(g_ref[...]) @ Wl_ref[0:D, :]
        eye = (lax.broadcasted_iota(jnp.int32, (128, 128), 0)
               == lax.broadcasted_iota(jnp.int32, (128, 128), 1)
               ).astype(jnp.float32)
        rows = [lax.dot_general(sg_col[t * 128:(t + 1) * 128, :], eye,
                                (((0,), (0,)), ((), ())))
                for t in range(B // 128)]
        sg_ref[...] = jnp.concatenate(rows, axis=0)

    ef = ef_ref[...]
    q_ref[0] = lax.dot_general(
        Wl_ref[D:2 * D, :], ef, (((0,), (1,)), ((), ())))
    hv_ref[...] = _leaky(ef @ Wp_ref[...] + bp_ref[...])


def _sca_body(E, B, D, CH, NCH,
              q_hbm, gid2d_hbm, gidf_hbm, sg_hbm, bl_hbm,
              ez_hbm, psum_hbm,
              bl_v, sg_v, gidf_v, q_v, ez_v, idx_v, zero_v,
              ssum_sh, ssem):
    c = lax.axis_index("c")
    s = lax.axis_index("s")
    wid = s * NC + c
    base = wid * CH

    pltpu.sync_copy(sg_hbm, sg_v)
    pltpu.sync_copy(bl_hbm, bl_v)
    pltpu.sync_copy(q_hbm.at[pl.ds(base, CH)], q_v)
    pltpu.sync_copy(gidf_hbm.at[pl.ds(base, CH)], gidf_v)
    pltpu.sync_copy(gid2d_hbm.at[wid], idx_v)

    bl16 = bl_v[...]

    @plsc.parallel_loop(0, CH // LN, unroll=4)
    def _ez(i):
        sl = pl.ds(i * LN, LN)
        t = plsc.load_gather(sg_v, [gidf_v[sl]])
        ez_v[sl] = jnp.exp(_leaky(q_v[sl] + t + bl16))
    pltpu.sync_copy(ez_v, ez_hbm.at[pl.ds(base, CH)])

    ZB = B // NS
    def _z(i, _):
        zero_v[pl.ds(i * LN, LN)] = jnp.zeros((LN,), jnp.float32)
        return _
    lax.fori_loop(0, ZB // LN, _z, None)
    pltpu.sync_copy(zero_v, ssum_sh.at[pl.ds(s * ZB, ZB)])
    plsc.subcore_barrier()

    def _sadd(j, _):
        pltpu.async_copy(ez_v.at[pl.ds(j * G, G)],
                         ssum_sh.at[idx_v.at[j]], ssem, add=True)
        return _
    lax.fori_loop(0, NCH, _sadd, None)
    def _sdrain(j, _):
        pltpu.make_async_copy(ez_v.at[pl.ds(j * G, G)],
                              ssum_sh.at[idx_v.at[j]], ssem).wait()
        return _
    lax.fori_loop(0, NCH, _sdrain, None)
    plsc.subcore_barrier()

    @pl.when(s == 0)
    def _():
        pltpu.sync_copy(ssum_sh, psum_hbm.at[c])


def _scb_body(E, B, D, CH, NCH,
              hv_hbm, gid2d_hbm, ez_hbm, psum_hbm,
              a_hbm, part_hbm,
              ps_v, rinv_v, idx_v, ez_v, a_v, row_v, acc_v,
              dsem):
    c = lax.axis_index("c")
    s = lax.axis_index("s")
    wid = s * NC + c
    base = wid * CH

    pltpu.sync_copy(psum_hbm, ps_v)
    def _rinv(i, _):
        sl = pl.ds(i * LN, LN)
        sv = ps_v[0, sl] + ps_v[1, sl]
        rinv_v[sl] = jnp.where(sv > 0, 1.0 / sv, jnp.zeros_like(sv))
        return _
    lax.fori_loop(0, B // LN, _rinv, None)

    pltpu.sync_copy(ez_hbm.at[pl.ds(base, CH)], ez_v)
    pltpu.sync_copy(gid2d_hbm.at[wid], idx_v)

    def _aj(j, _):
        for k in range(G // LN):
            i = j * (G // LN) + k
            sl = pl.ds(i * LN, LN)
            r = plsc.load_gather(rinv_v, [idx_v[j, pl.ds(k * LN, LN)]])
            a_v[sl] = ez_v[sl] * r
        return _
    lax.fori_loop(0, NCH, _aj, None)
    pltpu.sync_copy(a_v, a_hbm.at[pl.ds(base, CH)])

    def _zloop(i, _):
        r = i // (D // LN)
        k = i % (D // LN)
        acc_v[r, pl.ds(k * LN, LN)] = jnp.zeros((LN,), jnp.float32)
        return _
    lax.fori_loop(0, B * (D // LN), _zloop, None)

    def _fetch(ch, b):
        pltpu.async_copy(hv_hbm.at[pl.ds(base + ch * G, G)],
                         row_v.at[b], dsem)

    def _fetch_wait(ch, b):
        pltpu.make_async_copy(hv_hbm.at[pl.ds(base + ch * G, G)],
                              row_v.at[b], dsem).wait()

    lanes = lax.iota(jnp.int32, LN)
    cols = [k * LN + lanes for k in range(D // LN)]

    _fetch(0, 0)

    def _bloop(j, _):
        b = j & 1

        @pl.when(j + 1 < NCH)
        def _():
            _fetch(j + 1, 1 - b)
        _fetch_wait(j, b)
        jb = jnp.full((LN,), j, jnp.int32)

        @plsc.parallel_loop(0, G, unroll=8)
        def _row(r):
            g = plsc.load_gather(idx_v, [jb, jnp.full((LN,), r, jnp.int32)])
            av = plsc.load_gather(a_v, [jnp.full((LN,), j * G + r, jnp.int32)])
            for k in range(D // LN):
                sl = pl.ds(k * LN, LN)
                plsc.addupdate_scatter(
                    acc_v, [g, cols[k]], row_v[b, r, sl] * av)
        return _
    lax.fori_loop(0, NCH, _bloop, None)

    pltpu.sync_copy(acc_v, part_hbm.at[wid])


def _body2(B, D,
           part_ref, g_ref, W1_ref, b1_ref, W2_ref, b2_ref,
           out_ref):
    g_repr = part_ref[0]
    for w in range(1, NW):
        g_repr = g_repr + part_ref[w]
    context = _leaky(g_repr)
    h = _leaky(context @ W1_ref[0:D, :] + g_ref[...] @ W1_ref[D:2 * D, :]
               + b1_ref[...])
    out_ref[...] = _leaky(_leaky(h @ W2_ref[...] + b2_ref[...]))


def kernel(edge_feats, g_feats, edge_graph_ids, W_logit, b_logit,
           W_proj, b_proj, W1, b1, W2, b2, interpret=False):
    E, D = edge_feats.shape
    B = g_feats.shape[0]
    K = _pick_block(E)
    NB = E // K
    CH = E // NW
    NCH = CH // G

    gid_i32 = edge_graph_ids.astype(jnp.int32)
    gid2d = gid_i32.reshape(NW, NCH, G)
    bl16 = jnp.full((LN,), b_logit[0], jnp.float32)
    bp2 = b_proj.reshape(1, D)
    b12 = b1.reshape(1, D)
    b22 = b2.reshape(1, D)

    full = lambda j: (0, 0)
    edge_ix = lambda j: (j, 0)

    q, hv, sg4 = pl.pallas_call(
        functools.partial(_body1, B, D, K),
        grid=(NB,),
        in_specs=[
            pl.BlockSpec((K, D), edge_ix),
            pl.BlockSpec((2 * D, 1), full),
            pl.BlockSpec((D, D), full),
            pl.BlockSpec((1, D), full),
            pl.BlockSpec((B, D), full),
        ],
        out_specs=[
            pl.BlockSpec((1, 1, K), lambda j: (j, 0, 0)),
            pl.BlockSpec((K, D), edge_ix),
            pl.BlockSpec((B // 128, 128), full),
        ],
        out_shape=[
            jax.ShapeDtypeStruct((NB, 1, K), jnp.float32),
            jax.ShapeDtypeStruct((E, D), jnp.float32),
            jax.ShapeDtypeStruct((B // 128, 128), jnp.float32),
        ],
        compiler_params=pltpu.CompilerParams(
            dimension_semantics=("arbitrary",)),
        interpret=interpret,
    )(edge_feats, W_logit, W_proj, bp2, g_feats)

    mesh = plsc.VectorSubcoreMesh(
        core_axis_name="c", subcore_axis_name="s",
        num_cores=NC, num_subcores=NS)

    ez, psum = pl.kernel(
        functools.partial(_sca_body, E, B, D, CH, NCH),
        out_type=[
            jax.ShapeDtypeStruct((E,), jnp.float32),
            jax.ShapeDtypeStruct((NC, B), jnp.float32),
        ],
        mesh=mesh,
        scratch_types=[
            pltpu.VMEM((LN,), jnp.float32),
            pltpu.VMEM((B,), jnp.float32),
            pltpu.VMEM((CH,), jnp.int32),
            pltpu.VMEM((CH,), jnp.float32),
            pltpu.VMEM((CH,), jnp.float32),
            pltpu.VMEM((NCH, G), jnp.int32),
            pltpu.VMEM((B // NS,), jnp.float32),
            pltpu.VMEM_SHARED((B,), jnp.float32),
            pltpu.SemaphoreType.DMA,
        ],
        compiler_params=pltpu.CompilerParams(needs_layout_passes=False),
        interpret=interpret,
    )(q.reshape(E), gid2d, gid_i32, sg4.reshape(B), bl16)

    a_flat, part = pl.kernel(
        functools.partial(_scb_body, E, B, D, CH, NCH),
        out_type=[
            jax.ShapeDtypeStruct((E,), jnp.float32),
            jax.ShapeDtypeStruct((NW, B, D), jnp.float32),
        ],
        mesh=mesh,
        scratch_types=[
            pltpu.VMEM((NC, B), jnp.float32),
            pltpu.VMEM((B,), jnp.float32),
            pltpu.VMEM((NCH, G), jnp.int32),
            pltpu.VMEM((CH,), jnp.float32),
            pltpu.VMEM((CH,), jnp.float32),
            pltpu.VMEM((2, G, D), jnp.float32),
            pltpu.VMEM((B, D), jnp.float32),
            pltpu.SemaphoreType.DMA,
        ],
        compiler_params=pltpu.CompilerParams(needs_layout_passes=False),
        interpret=interpret,
    )(hv, gid2d, ez, psum)

    out = pl.pallas_call(
        functools.partial(_body2, B, D),
        grid=(1,),
        in_specs=[
            pl.BlockSpec((NW, B, D), lambda j: (0, 0, 0)),
            pl.BlockSpec((B, D), full),
            pl.BlockSpec((2 * D, D), full),
            pl.BlockSpec((1, D), full),
            pl.BlockSpec((D, D), full),
            pl.BlockSpec((1, D), full),
        ],
        out_specs=pl.BlockSpec((B, D), full),
        out_shape=jax.ShapeDtypeStruct((B, D), jnp.float32),
        interpret=interpret,
    )(part, g_feats, W1, b12, W2, b22)

    return (out, a_flat.reshape(E, 1))

# --- scband reference (transcript-rebuilt; emitter-appended) ---
"""Pipeline reference for scband-dtigraph3-edge-pool-layer-68745246539847 (READ-ONLY COPY).

The authoritative reference and input builder live on the scoring server;
editing this copy changes nothing except your own understanding.
"""

import jax, jax.numpy as jnp
import numpy as np

E = 320000
B = 512
D = 128

def leaky(x):
    return jnp.where(x >= 0, x, 0.01 * x)

def setup_inputs(seed: int = 0):
    key = jax.random.key(seed)
    ks = jax.random.split(key, 12)
    edge_feats = jax.random.normal(ks[0], (E, D), dtype=jnp.float32)
    g_feats = jax.random.normal(ks[1], (B, D), dtype=jnp.float32)
    edge_graph_ids = jnp.sort(jax.random.randint(ks[2], (E,), 0, B))
    s2 = 1.0 / np.sqrt(2 * D)
    s1 = 1.0 / np.sqrt(D)
    W_logit = jax.random.uniform(ks[3], (2 * D, 1), jnp.float32, -s2, s2)
    b_logit = jax.random.uniform(ks[4], (1,), jnp.float32, -s2, s2)
    W_proj = jax.random.uniform(ks[5], (D, D), jnp.float32, -s1, s1)
    b_proj = jax.random.uniform(ks[6], (D,), jnp.float32, -s1, s1)
    W1 = jax.random.uniform(ks[7], (2 * D, D), jnp.float32, -s2, s2)
    b1 = jax.random.uniform(ks[8], (D,), jnp.float32, -s2, s2)
    W2 = jax.random.uniform(ks[9], (D, D), jnp.float32, -s1, s1)
    b2 = jax.random.uniform(ks[10], (D,), jnp.float32, -s1, s1)
    return {"edge_feats": edge_feats, "g_feats": g_feats, "edge_graph_ids": edge_graph_ids,
            "W_logit": W_logit, "b_logit": b_logit, "W_proj": W_proj, "b_proj": b_proj,
            "W1": W1, "b1": b1, "W2": W2, "b2": b2}

def reference(edge_feats, g_feats, edge_graph_ids, W_logit, b_logit, W_proj, b_proj, W1, b1, W2, b2):
    # broadcast_edges(g, leaky_relu(g_feats)) -> gather per-graph feature to each edge
    gf_e = jnp.take(leaky(g_feats), edge_graph_ids, axis=0)  # [E, D]
    # compute_logits: Linear(2D -> 1) + LeakyReLU
    z = leaky(jnp.concatenate([gf_e, edge_feats], axis=1) @ W_logit + b_logit)  # [E, 1]
    zf = z[:, 0]
    # softmax_edges: softmax over edges within each graph (numerically stable)
    m = jax.ops.segment_max(zf, edge_graph_ids, num_segments=B)
    ez = jnp.exp(zf - jnp.take(m, edge_graph_ids, axis=0))
    ssum = jax.ops.segment_sum(ez, edge_graph_ids, num_segments=B)
    a = ez / jnp.take(ssum, edge_graph_ids, axis=0)  # [E]
    # project_edges: Dropout(p=0, eval) -> Linear(D->D) -> LeakyReLU
    hv = leaky(edge_feats @ W_proj + b_proj)  # [E, D]
    # sum_edges weighted by 'a'
    g_repr = jax.ops.segment_sum(hv * a[:, None], edge_graph_ids, num_segments=B)  # [B, D]
    context = leaky(g_repr)
    # mlp vertex update: Linear(2D->D)+LeakyReLU -> Linear(D->D)+LeakyReLU
    h = leaky(jnp.concatenate([context, g_feats], axis=1) @ W1 + b1)
    mlp_out = leaky(h @ W2 + b2)
    out = leaky(mlp_out)  # outer F.leaky_relu in forward
    return (out, a[:, None])

if __name__ == "__main__":
    import jax
    _d = setup_inputs()
    print(jax.jit(kernel)(*tuple(_d.values())))

</pallas_src>

<mosaic_0001>
#map = affine_map<(d0, d1) -> (0, 0)>
#map1 = affine_map<(d0, d1) -> (0, 0, 0)>
#map2 = affine_map<(d0, d1) -> (0)>
module attributes {stable_mosaic.version = 14 : i64} {
  func.func @_scb_body(%arg0: i32, %arg1: i32, %arg2: memref<320000x128xf32, #tpu.memory_space<hbm>>, %arg3: memref<32x125x80xi32, #tpu.memory_space<hbm>>, %arg4: memref<320000xf32, #tpu.memory_space<hbm>>, %arg5: memref<2x512xf32, #tpu.memory_space<hbm>>, %arg6: memref<320000xf32, #tpu.memory_space<hbm>>, %arg7: memref<32x512x128xf32, #tpu.memory_space<hbm>>, %arg8: memref<2x512xf32, #tpu.memory_space<vmem>>, %arg9: memref<512xf32, #tpu.memory_space<vmem>>, %arg10: memref<125x80xi32, #tpu.memory_space<vmem>>, %arg11: memref<10000xf32, #tpu.memory_space<vmem>>, %arg12: memref<10000xf32, #tpu.memory_space<vmem>>, %arg13: memref<2x80x128xf32, #tpu.memory_space<vmem>>, %arg14: memref<512x128xf32, #tpu.memory_space<vmem>>, %arg15: memref<!tpu.dma_semaphore, #tpu.memory_space<semaphore_mem>>) attributes {dimension_semantics = [#tpu.dimension_semantics<core_parallel>, #tpu.dimension_semantics<subcore_parallel>], iteration_bounds = array<i64: 2, 16>, scalar_prefetch = 0 : i64, scratch_operands = 8 : i64, tpu.core_type = #tpu.core_type<sc_vector_subcore>, window_params = [{transform_indices = #map}, {transform_indices = #map1}, {transform_indices = #map2}, {transform_indices = #map}, {transform_indices = #map2}, {transform_indices = #map1}]} {
    %mul3A = arith.constant 2 : i32
    %mul3A_0 = arith.muli %arg1, %mul3A : i32
    %add3A = arith.addi %mul3A_0, %arg0 : i32
    %mul3A_1 = arith.constant 10000 : i32
    %mul3A_2 = arith.muli %add3A, %mul3A_1 : i32
    "tpu.region"() ({
      %run_scoped3A = tpu.sem_alloc : memref<!tpu.dma_semaphore, #tpu.memory_space<semaphore_mem>>
      tpu.enqueue_dma source(%arg5 : memref<2x512xf32, #tpu.memory_space<hbm>>) target(%arg8 : memref<2x512xf32, #tpu.memory_space<vmem>>) target_semaphore(%run_scoped3A : memref<!tpu.dma_semaphore, #tpu.memory_space<semaphore_mem>>)
      tpu.wait_dma2 semaphore(%run_scoped3A : memref<!tpu.dma_semaphore, #tpu.memory_space<semaphore_mem>>) src(%arg5 : memref<2x512xf32, #tpu.memory_space<hbm>>) dst(%arg8 : memref<2x512xf32, #tpu.memory_space<vmem>>)
      tpu.yield
    }) : () -> ()
    %scan3A = arith.constant 0 : i32
    %scan3A_3 = arith.constant 32 : i32
    %scan3A_4 = arith.addi %scan3A, %scan3A_3 : i32
    %scan3A_5 = arith.constant 1 : i32
    scf.for %scan3A_60 = %scan3A to %scan3A_4 step %scan3A_5  : i32 {
      %mul3A_61 = arith.constant 16 : i32
      %mul3A_62 = arith.muli %scan3A_60, %mul3A_61 : i32
      %get3A = arith.constant 0 : i32
      %get3A_63 = arith.index_cast %get3A : i32 to index
      %get3A_64 = arith.index_cast %mul3A_62 : i32 to index
      %get3A_65 = tpu.vector_load %arg8[%get3A_63, %get3A_64] {strides = array<i32>} : memref<2x512xf32, #tpu.memory_space<vmem>>, vector<16xf32>,
      %get3A_66 = arith.constant 1 : i32
      %get3A_67 = arith.index_cast %get3A_66 : i32 to index
      %get3A_68 = arith.index_cast %mul3A_62 : i32 to index
      %get3A_69 = tpu.vector_load %arg8[%get3A_67, %get3A_68] {strides = array<i32>} : memref<2x512xf32, #tpu.memory_space<vmem>>, vector<16xf32>,
      %add3A_70 = arith.addf %get3A_65, %get3A_69 : vector<16xf32>
      %gt3A = arith.constant 0.000000e+00 : f32
      %gt3A_71 = vector.broadcast %gt3A : f32 to vector<16xf32>
      %gt3A_72 = arith.cmpf ogt, %add3A_70, %gt3A_71 : vector<16xf32>
      %div3A = arith.constant 1.000000e+00 : f32
      %div3A_73 = vector.broadcast %div3A : f32 to vector<16xf32>
      %div3A_74 = arith.divf %div3A_73, %add3A_70 : vector<16xf32>
      %broadcast_in_dim3A = arith.constant 0.000000e+00 : f32
      %broadcast_in_dim3A_75 = vector.broadcast %broadcast_in_dim3A : f32 to vector<16xf32>
      %select_n3A = arith.select %gt3A_72, %div3A_74, %broadcast_in_dim3A_75 : vector<16xi1>, vector<16xf32>
      %swap3A = arith.index_cast %mul3A_62 : i32 to index
      %swap3A_76 = tpu.vector_load %arg9[%swap3A] {strides = array<i32>} : memref<512xf32, #tpu.memory_space<vmem>>, vector<16xf32>,
      tpu.vector_store %arg9[%swap3A], %select_n3A {strides = array<i32>} : memref<512xf32, #tpu.memory_space<vmem>>, vector<16xf32>,
    }
    %scan3A_6 = arith.constant 32 : i32
    "tpu.region"() ({
      %run_scoped3A = tpu.sem_alloc : memref<!tpu.dma_semaphore, #tpu.memory_space<semaphore_mem>>
      %dma_start3A_60 = tpu.memref_slice %arg4[%mul3A_2] : memref<320000xf32, #tpu.memory_space<hbm>> -> memref<10000xf32, #tpu.memory_space<hbm>>
      %dma_start3A_61 = tpu.memref_slice %arg4[%mul3A_2] : memref<320000xf32, #tpu.memory_space<hbm>> -> memref<10000xf32, #tpu.memory_space<hbm>>
      tpu.enqueue_dma source(%dma_start3A_61 : memref<10000xf32, #tpu.memory_space<hbm>>) target(%arg11 : memref<10000xf32, #tpu.memory_space<vmem>>) target_semaphore(%run_scoped3A : memref<!tpu.dma_semaphore, #tpu.memory_space<semaphore_mem>>)
      %dma_wait3A = tpu.memref_slice %arg4[%mul3A_2] : memref<320000xf32, #tpu.memory_space<hbm>> -> memref<10000xf32, #tpu.memory_space<hbm>>
      %dma_wait3A_62 = tpu.memref_slice %arg4[%mul3A_2] : memref<320000xf32, #tpu.memory_space<hbm>> -> memref<10000xf32, #tpu.memory_space<hbm>>
      tpu.wait_dma2 semaphore(%run_scoped3A : memref<!tpu.dma_semaphore, #tpu.memory_space<semaphore_mem>>) src(%dma_wait3A_62 : memref<10000xf32, #tpu.memory_space<hbm>>) dst(%arg11 : memref<10000xf32, #tpu.memory_space<vmem>>)
      tpu.yield
    }) : () -> ()
    "tpu.region"() ({
      %run_scoped3A = tpu.sem_alloc : memref<!tpu.dma_semaphore, #tpu.memory_space<semaphore_mem>>
      %dma_start3A_60 = arith.constant 0 : i32
      %dma_start3A_61 = arith.constant 0 : i32
      %dma_start3A_62 = tpu.memref_slice %arg3[%add3A, %dma_start3A_60, %dma_start3A_61] : memref<32x125x80xi32, #tpu.memory_space<hbm>> -> memref<1x125x80xi32, #tpu.memory_space<hbm>>
      %dma_start3A_63 = tpu.memref_squeeze %dma_start3A_62 : memref<1x125x80xi32, #tpu.memory_space<hbm>> -> memref<125x80xi32, #tpu.memory_space<hbm>>
      %dma_start3A_64 = arith.constant 0 : i32
      %dma_start3A_65 = arith.constant 0 : i32
      %dma_start3A_66 = tpu.memref_slice %arg3[%add3A, %dma_start3A_64, %dma_start3A_65] : memref<32x125x80xi32, #tpu.memory_space<hbm>> -> memref<1x125x80xi32, #tpu.memory_space<hbm>>
      %dma_start3A_67 = tpu.memref_squeeze %dma_start3A_66 : memref<1x125x80xi32, #tpu.memory_space<hbm>> -> memref<125x80xi32, #tpu.memory_space<hbm>>
      tpu.enqueue_dma source(%dma_start3A_67 : memref<125x80xi32, #tpu.memory_space<hbm>>) target(%arg10 : memref<125x80xi32, #tpu.memory_space<vmem>>) target_semaphore(%run_scoped3A : memref<!tpu.dma_semaphore, #tpu.memory_space<semaphore_mem>>)
      %dma_wait3A = arith.constant 0 : i32
      %dma_wait3A_68 = arith.constant 0 : i32
      %dma_wait3A_69 = tpu.memref_slice %arg3[%add3A, %dma_wait3A, %dma_wait3A_68] : memref<32x125x80xi32, #tpu.memory_space<hbm>> -> memref<1x125x80xi32, #tpu.memory_space<hbm>>
      %dma_wait3A_70 = tpu.memref_squeeze %dma_wait3A_69 : memref<1x125x80xi32, #tpu.memory_space<hbm>> -> memref<125x80xi32, #tpu.memory_space<hbm>>
      %dma_wait3A_71 = arith.constant 0 : i32
      %dma_wait3A_72 = arith.constant 0 : i32
      %dma_wait3A_73 = tpu.memref_slice %arg3[%add3A, %dma_wait3A_71, %dma_wait3A_72] : memref<32x125x80xi32, #tpu.memory_space<hbm>> -> memref<1x125x80xi32, #tpu.memory_space<hbm>>
      %dma_wait3A_74 = tpu.memref_squeeze %dma_wait3A_73 : memref<1x125x80xi32, #tpu.memory_space<hbm>> -> memref<125x80xi32, #tpu.memory_space<hbm>>
      tpu.wait_dma2 semaphore(%run_scoped3A : memref<!tpu.dma_semaphore, #tpu.memory_space<semaphore_mem>>) src(%dma_wait3A_74 : memref<125x80xi32, #tpu.memory_space<hbm>>) dst(%arg10 : memref<125x80xi32, #tpu.memory_space<vmem>>)
      tpu.yield
    }) : () -> ()
    %scan3A_7 = arith.constant 0 : i32
    %scan3A_8 = arith.constant 125 : i32
    %scan3A_9 = arith.addi %scan3A_7, %scan3A_8 : i32
    %scan3A_10 = arith.constant 1 : i32
    scf.for %scan3A_60 = %scan3A_7 to %scan3A_9 step %scan3A_10  : i32 {
      %mul3A_61 = arith.constant 5 : i32
      %mul3A_62 = arith.muli %scan3A_60, %mul3A_61 : i32
      %add3A_63 = arith.constant 0 : i32
      %add3A_64 = arith.addi %mul3A_62, %add3A_63 : i32
      %mul3A_65 = arith.constant 16 : i32
      %mul3A_66 = arith.muli %add3A_64, %mul3A_65 : i32
      %get3A = arith.index_cast %scan3A_60 : i32 to index
      %get3A_67 = arith.constant 0 : index
      %get3A_68 = tpu.vector_load %arg10[%get3A, %get3A_67] {strides = array<i32>} : memref<125x80xi32, #tpu.memory_space<vmem>>, vector<16xi32>,
      %gather3A = tpu.vector_load_idx %arg9[%get3A_68] : memref<512xf32, #tpu.memory_space<vmem>>[vector<16xi32>], vector<16xf32>,
      %get3A_69 = arith.index_cast %mul3A_66 : i32 to index
      %get3A_70 = tpu.vector_load %arg11[%get3A_69] {strides = array<i32>} : memref<10000xf32, #tpu.memory_space<vmem>>, vector<16xf32>,
      %mul3A_71 = arith.mulf %get3A_70, %gather3A : vector<16xf32>
      %swap3A = arith.index_cast %mul3A_66 : i32 to index
      %swap3A_72 = tpu.vector_load %arg12[%swap3A] {strides = array<i32>} : memref<10000xf32, #tpu.memory_space<vmem>>, vector<16xf32>,
      tpu.vector_store %arg12[%swap3A], %mul3A_71 {strides = array<i32>} : memref<10000xf32, #tpu.memory_space<vmem>>, vector<16xf32>,
      %mul3A_73 = arith.constant 5 : i32
      %mul3A_74 = arith.muli %scan3A_60, %mul3A_73 : i32
      %add3A_75 = arith.constant 1 : i32
      %add3A_76 = arith.addi %mul3A_74, %add3A_75 : i32
      %mul3A_77 = arith.constant 16 : i32
      %mul3A_78 = arith.muli %add3A_76, %mul3A_77 : i32
      %get3A_79 = arith.index_cast %scan3A_60 : i32 to index
      %get3A_80 = arith.constant 16 : index
      %get3A_81 = tpu.vector_load %arg10[%get3A_79, %get3A_80] {strides = array<i32>} : memref<125x80xi32, #tpu.memory_space<vmem>>, vector<16xi32>,
      %gather3A_82 = tpu.vector_load_idx %arg9[%get3A_81] : memref<512xf32, #tpu.memory_space<vmem>>[vector<16xi32>], vector<16xf32>,
      %get3A_83 = arith.index_cast %mul3A_78 : i32 to index
      %get3A_84 = tpu.vector_load %arg11[%get3A_83] {strides = array<i32>} : memref<10000xf32, #tpu.memory_space<vmem>>, vector<16xf32>,
      %mul3A_85 = arith.mulf %get3A_84, %gather3A_82 : vector<16xf32>
      %swap3A_86 = arith.index_cast %mul3A_78 : i32 to index
      %swap3A_87 = tpu.vector_load %arg12[%swap3A_86] {strides = array<i32>} : memref<10000xf32, #tpu.memory_space<vmem>>, vector<16xf32>,
      tpu.vector_store %arg12[%swap3A_86], %mul3A_85 {strides = array<i32>} : memref<10000xf32, #tpu.memory_space<vmem>>, vector<16xf32>,
      %mul3A_88 = arith.constant 5 : i32
      %mul3A_89 = arith.muli %scan3A_60, %mul3A_88 : i32
      %add3A_90 = arith.constant 2 : i32
      %add3A_91 = arith.addi %mul3A_89, %add3A_90 : i32
      %mul3A_92 = arith.constant 16 : i32
      %mul3A_93 = arith.muli %add3A_91, %mul3A_92 : i32
      %get3A_94 = arith.index_cast %scan3A_60 : i32 to index
      %get3A_95 = arith.constant 32 : index
      %get3A_96 = tpu.vector_load %arg10[%get3A_94, %get3A_95] {strides = array<i32>} : memref<125x80xi32, #tpu.memory_space<vmem>>, vector<16xi32>,
      %gather3A_97 = tpu.vector_load_idx %arg9[%get3A_96] : memref<512xf32, #tpu.memory_space<vmem>>[vector<16xi32>], vector<16xf32>,
      %get3A_98 = arith.index_cast %mul3A_93 : i32 to index
      %get3A_99 = tpu.vector_load %arg11[%get3A_98] {strides = array<i32>} : memref<10000xf32, #tpu.memory_space<vmem>>, vector<16xf32>,
      %mul3A_100 = arith.mulf %get3A_99, %gather3A_97 : vector<16xf32>
      %swap3A_101 = arith.index_cast %mul3A_93 : i32 to index
      %swap3A_102 = tpu.vector_load %arg12[%swap3A_101] {strides = array<i32>} : memref<10000xf32, #tpu.memory_space<vmem>>, vector<16xf32>,
      tpu.vector_store %arg12[%swap3A_101], %mul3A_100 {strides = array<i32>} : memref<10000xf32, #tpu.memory_space<vmem>>, vector<16xf32>,
      %mul3A_103 = arith.constant 5 : i32
      %mul3A_104 = arith.muli %scan3A_60, %mul3A_103 : i32
      %add3A_105 = arith.constant 3 : i32
      %add3A_106 = arith.addi %mul3A_104, %add3A_105 : i32
      %mul3A_107 = arith.constant 16 : i32
      %mul3A_108 = arith.muli %add3A_106, %mul3A_107 : i32
      %get3A_109 = arith.index_cast %scan3A_60 : i32 to index
      %get3A_110 = arith.constant 48 : index
      %get3A_111 = tpu.vector_load %arg10[%get3A_109, %get3A_110] {strides = array<i32>} : memref<125x80xi32, #tpu.memory_space<vmem>>, vector<16xi32>,
      %gather3A_112 = tpu.vector_load_idx %arg9[%get3A_111] : memref<512xf32, #tpu.memory_space<vmem>>[vector<16xi32>], vector<16xf32>,
      %get3A_113 = arith.index_cast %mul3A_108 : i32 to index
      %get3A_114 = tpu.vector_load %arg11[%get3A_113] {strides = array<i32>} : memref<10000xf32, #tpu.memory_space<vmem>>, vector<16xf32>,
      %mul3A_115 = arith.mulf %get3A_114, %gather3A_112 : vector<16xf32>
      %swap3A_116 = arith.index_cast %mul3A_108 : i32 to index
      %swap3A_117 = tpu.vector_load %arg12[%swap3A_116] {strides = array<i32>} : memref<10000xf32, #tpu.memory_space<vmem>>, vector<16xf32>,
      tpu.vector_store %arg12[%swap3A_116], %mul3A_115 {strides = array<i32>} : memref<10000xf32, #tpu.memory_space<vmem>>, vector<16xf32>,
      %mul3A_118 = arith.constant 5 : i32
      %mul3A_119 = arith.muli %scan3A_60, %mul3A_118 : i32
      %add3A_120 = arith.constant 4 : i32
      %add3A_121 = arith.addi %mul3A_119, %add3A_120 : i32
      %mul3A_122 = arith.constant 16 : i32
      %mul3A_123 = arith.muli %add3A_121, %mul3A_122 : i32
      %get3A_124 = arith.index_cast %scan3A_60 : i32 to index
      %get3A_125 = arith.constant 64 : index
      %get3A_126 = tpu.vector_load %arg10[%get3A_124, %get3A_125] {strides = array<i32>} : memref<125x80xi32, #tpu.memory_space<vmem>>, vector<16xi32>,
      %gather3A_127 = tpu.vector_load_idx %arg9[%get3A_126] : memref<512xf32, #tpu.memory_space<vmem>>[vector<16xi32>], vector<16xf32>,
      %get3A_128 = arith.index_cast %mul3A_123 : i32 to index
      %get3A_129 = tpu.vector_load %arg11[%get3A_128] {strides = array<i32>} : memref<10000xf32, #tpu.memory_space<vmem>>, vector<16xf32>,
      %mul3A_130 = arith.mulf %get3A_129, %gather3A_127 : vector<16xf32>
      %swap3A_131 = arith.index_cast %mul3A_123 : i32 to index
      %swap3A_132 = tpu.vector_load %arg12[%swap3A_131] {strides = array<i32>} : memref<10000xf32, #tpu.memory_space<vmem>>, vector<16xf32>,
      tpu.vector_store %arg12[%swap3A_131], %mul3A_130 {strides = array<i32>} : memref<10000xf32, #tpu.memory_space<vmem>>, vector<16xf32>,
    }
    %scan3A_11 = arith.constant 125 : i32
    "tpu.region"() ({
      %run_scoped3A = tpu.sem_alloc : memref<!tpu.dma_semaphore, #tpu.memory_space<semaphore_mem>>
      %dma_start3A_60 = tpu.memref_slice %arg6[%mul3A_2] : memref<320000xf32, #tpu.memory_space<hbm>> -> memref<10000xf32, #tpu.memory_space<hbm>>
      %dma_start3A_61 = tpu.memref_slice %arg6[%mul3A_2] : memref<320000xf32, #tpu.memory_space<hbm>> -> memref<10000xf32, #tpu.memory_space<hbm>>
      tpu.enqueue_dma source(%arg12 : memref<10000xf32, #tpu.memory_space<vmem>>) target(%dma_start3A_61 : memref<10000xf32, #tpu.memory_space<hbm>>) target_semaphore(%run_scoped3A : memref<!tpu.dma_semaphore, #tpu.memory_space<semaphore_mem>>)
      %dma_wait3A = tpu.memref_slice %arg6[%mul3A_2] : memref<320000xf32, #tpu.memory_space<hbm>> -> memref<10000xf32, #tpu.memory_space<hbm>>
      %dma_wait3A_62 = tpu.memref_slice %arg6[%mul3A_2] : memref<320000xf32, #tpu.memory_space<hbm>> -> memref<10000xf32, #tpu.memory_space<hbm>>
      tpu.wait_dma2 semaphore(%run_scoped3A : memref<!tpu.dma_semaphore, #tpu.memory_space<semaphore_mem>>) src(%arg12 : memref<10000xf32, #tpu.memory_space<vmem>>) dst(%dma_wait3A_62 : memref<10000xf32, #tpu.memory_space<hbm>>)
      tpu.yield
    }) : () -> ()
    %scan3A_12 = arith.constant 0 : i32
    %scan3A_13 = arith.constant 4096 : i32
    %scan3A_14 = arith.addi %scan3A_12, %scan3A_13 : i32
    %scan3A_15 = arith.constant 1 : i32
    scf.for %scan3A_60 = %scan3A_12 to %scan3A_14 step %scan3A_15  : i32 {
      %jit3A = arith.constant 8 : i32
      %div3A = arith.divsi %scan3A_60, %jit3A : i32
      %sign3A = arith.constant 0 : i32
      %sign3A_61 = arith.cmpi sgt, %scan3A_60, %sign3A : i32
      %sign3A_62 = arith.extui %sign3A_61 : i1 to i32
      %sign3A_63 = arith.constant 0 : i32
      %sign3A_64 = arith.cmpi slt, %scan3A_60, %sign3A_63 : i32
      %sign3A_65 = arith.extui %sign3A_64 : i1 to i32
      %sign3A_66 = arith.subi %sign3A_62, %sign3A_65 : i32
      %sign3A_67 = arith.constant 0 : i32
      %sign3A_68 = arith.cmpi sgt, %jit3A, %sign3A_67 : i32
      %sign3A_69 = arith.extui %sign3A_68 : i1 to i32
      %sign3A_70 = arith.constant 0 : i32
      %sign3A_71 = arith.cmpi slt, %jit3A, %sign3A_70 : i32
      %sign3A_72 = arith.extui %sign3A_71 : i1 to i32
      %sign3A_73 = arith.subi %sign3A_69, %sign3A_72 : i32
      %ne3A = arith.cmpi ne, %sign3A_66, %sign3A_73 : i32
      %rem3A = arith.remsi %scan3A_60, %jit3A : i32
      %ne3A_74 = arith.constant 0 : i32
      %ne3A_75 = arith.cmpi ne, %rem3A, %ne3A_74 : i32
      %and3A = arith.andi %ne3A, %ne3A_75 : i1
      %sub3A = arith.constant 1 : i32
      %sub3A_76 = arith.subi %div3A, %sub3A : i32
      %select_n3A = arith.select %and3A, %sub3A_76, %div3A : i32
      %jit3A_77 = arith.constant 8 : i32
      %eq3A = arith.constant 0 : i32
      %eq3A_78 = arith.cmpi eq, %jit3A_77, %eq3A : i32
      %jit3A_79 = arith.constant 1 : i32
      %select_n3A_80 = arith.select %eq3A_78, %jit3A_79, %jit3A_77 : i32
      %rem3A_81 = arith.remsi %scan3A_60, %select_n3A_80 : i32
      %ne3A_82 = arith.constant 0 : i32
      %ne3A_83 = arith.cmpi ne, %rem3A_81, %ne3A_82 : i32
      %lt3A = arith.constant 0 : i32
      %lt3A_84 = arith.cmpi slt, %rem3A_81, %lt3A : i32
      %lt3A_85 = arith.constant 0 : i32
      %lt3A_86 = arith.cmpi slt, %select_n3A_80, %lt3A_85 : i32
      %ne3A_87 = arith.xori %lt3A_84, %lt3A_86 : i1
      %and3A_88 = arith.andi %ne3A_87, %ne3A_83 : i1
      %add3A_89 = arith.addi %rem3A_81, %select_n3A_80 : i32
      %select_n3A_90 = arith.select %and3A_88, %add3A_89, %rem3A_81 : i32
      %broadcast_in_dim3A = arith.constant 0.000000e+00 : f32
      %broadcast_in_dim3A_91 = vector.broadcast %broadcast_in_dim3A : f32 to vector<16xf32>
      %mul3A_92 = arith.constant 16 : i32
      %mul3A_93 = arith.muli %select_n3A_90, %mul3A_92 : i32
      %swap3A = arith.index_cast %select_n3A : i32 to index
      %swap3A_94 = arith.index_cast %mul3A_93 : i32 to index
      %swap3A_95 = tpu.vector_load %arg14[%swap3A, %swap3A_94] {strides = array<i32>} : memref<512x128xf32, #tpu.memory_space<vmem>>, vector<16xf32>,
      tpu.vector_store %arg14[%swap3A, %swap3A_94], %broadcast_in_dim3A_91 {strides = array<i32>} : memref<512x128xf32, #tpu.memory_space<vmem>>, vector<16xf32>,
    }
    %scan3A_16 = arith.constant 4096 : i32
    %iota3A = tpu.iota {dimensions = array<i32: 0>} : vector<16xi32>
    %add3A_17 = arith.constant 0 : i32
    %add3A_18 = vector.broadcast %add3A_17 : i32 to vector<16xi32>
    %add3A_19 = arith.addi %add3A_18, %iota3A : vector<16xi32>
    %add3A_20 = arith.constant 16 : i32
    %add3A_21 = vector.broadcast %add3A_20 : i32 to vector<16xi32>
    %add3A_22 = arith.addi %add3A_21, %iota3A : vector<16xi32>
    %add3A_23 = arith.constant 32 : i32
    %add3A_24 = vector.broadcast %add3A_23 : i32 to vector<16xi32>
    %add3A_25 = arith.addi %add3A_24, %iota3A : vector<16xi32>
    %add3A_26 = arith.constant 48 : i32
    %add3A_27 = vector.broadcast %add3A_26 : i32 to vector<16xi32>
    %add3A_28 = arith.addi %add3A_27, %iota3A : vector<16xi32>
    %add3A_29 = arith.constant 64 : i32
    %add3A_30 = vector.broadcast %add3A_29 : i32 to vector<16xi32>
    %add3A_31 = arith.addi %add3A_30, %iota3A : vector<16xi32>
    %add3A_32 = arith.constant 80 : i32
    %add3A_33 = vector.broadcast %add3A_32 : i32 to vector<16xi32>
    %add3A_34 = arith.addi %add3A_33, %iota3A : vector<16xi32>
    %add3A_35 = arith.constant 96 : i32
    %add3A_36 = vector.broadcast %add3A_35 : i32 to vector<16xi32>
    %add3A_37 = arith.addi %add3A_36, %iota3A : vector<16xi32>
    %add3A_38 = arith.constant 112 : i32
    %add3A_39 = vector.broadcast %add3A_38 : i32 to vector<16xi32>
    %add3A_40 = arith.addi %add3A_39, %iota3A : vector<16xi32>
    %add3A_41 = arith.constant 0 : i32
    %add3A_42 = arith.addi %mul3A_2, %add3A_41 : i32
    %dma_start3A = arith.constant 0 : i32
    %dma_start3A_43 = arith.constant 0 : i32
    %dma_start3A_44 = arith.constant 0 : i32
    %dma_start3A_45 = tpu.memref_slice %arg13[%dma_start3A, %dma_start3A_43, %dma_start3A_44] : memref<2x80x128xf32, #tpu.memory_space<vmem>> -> memref<1x80x128xf32, #tpu.memory_space<vmem>>
    %dma_start3A_46 = tpu.memref_squeeze %dma_start3A_45 : memref<1x80x128xf32, #tpu.memory_space<vmem>> -> memref<80x128xf32, #tpu.memory_space<vmem>>
    %dma_start3A_47 = arith.constant 0 : i32
    %dma_start3A_48 = tpu.memref_slice %arg2[%add3A_42, %dma_start3A_47] : memref<320000x128xf32, #tpu.memory_space<hbm>> -> memref<80x128xf32, #tpu.memory_space<hbm>>
    %dma_start3A_49 = arith.constant 0 : i32
    %dma_start3A_50 = arith.constant 0 : i32
    %dma_start3A_51 = tpu.memref_slice %arg13[%dma_start3A, %dma_start3A_49, %dma_start3A_50] : memref<2x80x128xf32, #tpu.memory_space<vmem>> -> memref<1x80x128xf32, #tpu.memory_space<vmem>>
    %dma_start3A_52 = tpu.memref_squeeze %dma_start3A_51 : memref<1x80x128xf32, #tpu.memory_space<vmem>> -> memref<80x128xf32, #tpu.memory_space<vmem>>
    %dma_start3A_53 = arith.constant 0 : i32
    %dma_start3A_54 = tpu.memref_slice %arg2[%add3A_42, %dma_start3A_53] : memref<320000x128xf32, #tpu.memory_space<hbm>> -> memref<80x128xf32, #tpu.memory_space<hbm>>
    tpu.enqueue_dma source(%dma_start3A_54 : memref<80x128xf32, #tpu.memory_space<hbm>>) target(%dma_start3A_52 : memref<80x128xf32, #tpu.memory_space<vmem>>) target_semaphore(%arg15 : memref<!tpu.dma_semaphore, #tpu.memory_space<semaphore_mem>>)
    %scan3A_55 = arith.constant 0 : i32
    %scan3A_56 = arith.constant 125 : i32
    %scan3A_57 = arith.addi %scan3A_55, %scan3A_56 : i32
    %scan3A_58 = arith.constant 1 : i32
    scf.for %scan3A_60 = %scan3A_55 to %scan3A_57 step %scan3A_58  : i32 {
      %and3A = arith.constant 1 : i32
      %and3A_61 = arith.andi %scan3A_60, %and3A : i32
      %add3A_62 = arith.constant 1 : i32
      %add3A_63 = arith.addi %scan3A_60, %add3A_62 : i32
      %lt3A = arith.constant 125 : i32
      %lt3A_64 = arith.cmpi slt, %add3A_63, %lt3A : i32
      %convert_element_type3A = arith.extui %lt3A_64 : i1 to i32
      %cond3A = arith.constant 0 : i32
      %cond3A_65 = arith.cmpi ne, %convert_element_type3A, %cond3A : i32
      scf.if %cond3A_65 {
        %add3A_82 = arith.constant 1 : i32
        %add3A_83 = arith.addi %scan3A_60, %add3A_82 : i32
        %sub3A = arith.constant 1 : i32
        %sub3A_84 = arith.subi %sub3A, %and3A_61 : i32
        %mul3A_85 = arith.constant 80 : i32
        %mul3A_86 = arith.muli %add3A_83, %mul3A_85 : i32
        %add3A_87 = arith.addi %mul3A_2, %mul3A_86 : i32
        %dma_start3A_88 = arith.constant 0 : i32
        %dma_start3A_89 = arith.constant 0 : i32
        %dma_start3A_90 = tpu.memref_slice %arg13[%sub3A_84, %dma_start3A_88, %dma_start3A_89] : memref<2x80x128xf32, #tpu.memory_space<vmem>> -> memref<1x80x128xf32, #tpu.memory_space<vmem>>
        %dma_start3A_91 = tpu.memref_squeeze %dma_start3A_90 : memref<1x80x128xf32, #tpu.memory_space<vmem>> -> memref<80x128xf32, #tpu.memory_space<vmem>>
        %dma_start3A_92 = arith.constant 0 : i32
        %dma_start3A_93 = tpu.memref_slice %arg2[%add3A_87, %dma_start3A_92] : memref<320000x128xf32, #tpu.memory_space<hbm>> -> memref<80x128xf32, #tpu.memory_space<hbm>>
        %dma_start3A_94 = arith.constant 0 : i32
        %dma_start3A_95 = arith.constant 0 : i32
        %dma_start3A_96 = tpu.memref_slice %arg13[%sub3A_84, %dma_start3A_94, %dma_start3A_95] : memref<2x80x128xf32, #tpu.memory_space<vmem>> -> memref<1x80x128xf32, #tpu.memory_space<vmem>>
        %dma_start3A_97 = tpu.memref_squeeze %dma_start3A_96 : memref<1x80x128xf32, #tpu.memory_space<vmem>> -> memref<80x128xf32, #tpu.memory_space<vmem>>
        %dma_start3A_98 = arith.constant 0 : i32
        %dma_start3A_99 = tpu.memref_slice %arg2[%add3A_87, %dma_start3A_98] : memref<320000x128xf32, #tpu.memory_space<hbm>> -> memref<80x128xf32, #tpu.memory_space<hbm>>
        tpu.enqueue_dma source(%dma_start3A_99 : memref<80x128xf32, #tpu.memory_space<hbm>>) target(%dma_start3A_97 : memref<80x128xf32, #tpu.memory_space<vmem>>) target_semaphore(%arg15 : memref<!tpu.dma_semaphore, #tpu.memory_space<semaphore_mem>>)
      } else {
      }
      %mul3A_66 = arith.constant 80 : i32
      %mul3A_67 = arith.muli %scan3A_60, %mul3A_66 : i32
      %add3A_68 = arith.addi %mul3A_2, %mul3A_67 : i32
      %dma_wait3A = arith.constant 0 : i32
      %dma_wait3A_69 = arith.constant 0 : i32
      %dma_wait3A_70 = tpu.memref_slice %arg13[%and3A_61, %dma_wait3A, %dma_wait3A_69] : memref<2x80x128xf32, #tpu.memory_space<vmem>> -> memref<1x80x128xf32, #tpu.memory_space<vmem>>
      %dma_wait3A_71 = tpu.memref_squeeze %dma_wait3A_70 : memref<1x80x128xf32, #tpu.memory_space<vmem>> -> memref<80x128xf32, #tpu.memory_space<vmem>>
      %dma_wait3A_72 = arith.constant 0 : i32
      %dma_wait3A_73 = tpu.memref_slice %arg2[%add3A_68, %dma_wait3A_72] : memref<320000x128xf32, #tpu.memory_space<hbm>> -> memref<80x128xf32, #tpu.memory_space<hbm>>
      %dma_wait3A_74 = arith.constant 0 : i32
      %dma_wait3A_75 = arith.constant 0 : i32
      %dma_wait3A_76 = tpu.memref_slice %arg13[%and3A_61, %dma_wait3A_74, %dma_wait3A_75] : memref<2x80x128xf32, #tpu.memory_space<vmem>> -> memref<1x80x128xf32, #tpu.memory_space<vmem>>
      %dma_wait3A_77 = tpu.memref_squeeze %dma_wait3A_76 : memref<1x80x128xf32, #tpu.memory_space<vmem>> -> memref<80x128xf32, #tpu.memory_space<vmem>>
      %dma_wait3A_78 = arith.constant 0 : i32
      %dma_wait3A_79 = tpu.memref_slice %arg2[%add3A_68, %dma_wait3A_78] : memref<320000x128xf32, #tpu.memory_space<hbm>> -> memref<80x128xf32, #tpu.memory_space<hbm>>
      tpu.wait_dma2 semaphore(%arg15 : memref<!tpu.dma_semaphore, #tpu.memory_space<semaphore_mem>>) src(%dma_wait3A_79 : memref<80x128xf32, #tpu.memory_space<hbm>>) dst(%dma_wait3A_77 : memref<80x128xf32, #tpu.memory_space<vmem>>)
      %broadcast_in_dim3A = vector.broadcast %scan3A_60 : i32 to vector<16xi32>
      %parallel_loop3A = arith.constant 0 : i32
      %parallel_loop3A_80 = arith.constant 80 : i32
      %parallel_loop3A_81 = arith.constant 1 : i32
      scf.for %parallel_loop3A_82 = %parallel_loop3A to %parallel_loop3A_80 step %parallel_loop3A_81  : i32 {
        %parallel_loop3A_83 = vector.broadcast %parallel_loop3A_82 : i32 to vector<16xi32>
        %parallel_loop3A_84 = tpu.vector_load_idx %arg10[%broadcast_in_dim3A, %parallel_loop3A_83] : memref<125x80xi32, #tpu.memory_space<vmem>>[vector<16xi32>, vector<16xi32>], vector<16xi32>,
        %parallel_loop3A_85 = arith.constant 80 : i32
        %parallel_loop3A_86 = arith.muli %scan3A_60, %parallel_loop3A_85 : i32
        %parallel_loop3A_87 = arith.addi %parallel_loop3A_86, %parallel_loop3A_82 : i32
        %parallel_loop3A_88 = vector.broadcast %parallel_loop3A_87 : i32 to vector<16xi32>
        %parallel_loop3A_89 = tpu.vector_load_idx %arg12[%parallel_loop3A_88] : memref<10000xf32, #tpu.memory_space<vmem>>[vector<16xi32>], vector<16xf32>,
        %parallel_loop3A_90 = arith.index_cast %and3A_61 : i32 to index
        %parallel_loop3A_91 = arith.index_cast %parallel_loop3A_82 : i32 to index
        %parallel_loop3A_92 = arith.constant 0 : index
        %parallel_loop3A_93 = tpu.vector_load %arg13[%parallel_loop3A_90, %parallel_loop3A_91, %parallel_loop3A_92] {strides = array<i32>} : memref<2x80x128xf32, #tpu.memory_space<vmem>>, vector<16xf32>,
        %parallel_loop3A_94 = arith.mulf %parallel_loop3A_93, %parallel_loop3A_89 : vector<16xf32>
        tpu.vector_store_idx %arg14[%parallel_loop3A_84, %add3A_19], %parallel_loop3A_94 {add = true} : memref<512x128xf32, #tpu.memory_space<vmem>>[vector<16xi32>, vector<16xi32>], vector<16xf32>,
        %parallel_loop3A_95 = arith.index_cast %and3A_61 : i32 to index
        %parallel_loop3A_96 = arith.index_cast %parallel_loop3A_82 : i32 to index
        %parallel_loop3A_97 = arith.constant 16 : index
        %parallel_loop3A_98 = tpu.vector_load %arg13[%parallel_loop3A_95, %parallel_loop3A_96, %parallel_loop3A_97] {strides = array<i32>} : memref<2x80x128xf32, #tpu.memory_space<vmem>>, vector<16xf32>,
        %parallel_loop3A_99 = arith.mulf %parallel_loop3A_98, %parallel_loop3A_89 : vector<16xf32>
        tpu.vector_store_idx %arg14[%parallel_loop3A_84, %add3A_22], %parallel_loop3A_99 {add = true} : memref<512x128xf32, #tpu.memory_space<vmem>>[vector<16xi32>, vector<16xi32>], vector<16xf32>,
        %parallel_loop3A_100 = arith.index_cast %and3A_61 : i32 to index
        %parallel_loop3A_101 = arith.index_cast %parallel_loop3A_82 : i32 to index
        %parallel_loop3A_102 = arith.constant 32 : index
        %parallel_loop3A_103 = tpu.vector_load %arg13[%parallel_loop3A_100, %parallel_loop3A_101, %parallel_loop3A_102] {strides = array<i32>} : memref<2x80x128xf32, #tpu.memory_space<vmem>>, vector<16xf32>,
        %parallel_loop3A_104 = arith.mulf %parallel_loop3A_103, %parallel_loop3A_89 : vector<16xf32>
        tpu.vector_store_idx %arg14[%parallel_loop3A_84, %add3A_25], %parallel_loop3A_104 {add = true} : memref<512x128xf32, #tpu.memory_space<vmem>>[vector<16xi32>, vector<16xi32>], vector<16xf32>,
        %parallel_loop3A_105 = arith.index_cast %and3A_61 : i32 to index
        %parallel_loop3A_106 = arith.index_cast %parallel_loop3A_82 : i32 to index
        %parallel_loop3A_107 = arith.constant 48 : index
        %parallel_loop3A_108 = tpu.vector_load %arg13[%parallel_loop3A_105, %parallel_loop3A_106, %parallel_loop3A_107] {strides = array<i32>} : memref<2x80x128xf32, #tpu.memory_space<vmem>>, vector<16xf32>,
        %parallel_loop3A_109 = arith.mulf %parallel_loop3A_108, %parallel_loop3A_89 : vector<16xf32>
        tpu.vector_store_idx %arg14[%parallel_loop3A_84, %add3A_28], %parallel_loop3A_109 {add = true} : memref<512x128xf32, #tpu.memory_space<vmem>>[vector<16xi32>, vector<16xi32>], vector<16xf32>,
        %parallel_loop3A_110 = arith.index_cast %and3A_61 : i32 to index
        %parallel_loop3A_111 = arith.index_cast %parallel_loop3A_82 : i32 to index
        %parallel_loop3A_112 = arith.constant 64 : index
        %parallel_loop3A_113 = tpu.vector_load %arg13[%parallel_loop3A_110, %parallel_loop3A_111, %parallel_loop3A_112] {strides = array<i32>} : memref<2x80x128xf32, #tpu.memory_space<vmem>>, vector<16xf32>,
        %parallel_loop3A_114 = arith.mulf %parallel_loop3A_113, %parallel_loop3A_89 : vector<16xf32>
        tpu.vector_store_idx %arg14[%parallel_loop3A_84, %add3A_31], %parallel_loop3A_114 {add = true} : memref<512x128xf32, #tpu.memory_space<vmem>>[vector<16xi32>, vector<16xi32>], vector<16xf32>,
        %parallel_loop3A_115 = arith.index_cast %and3A_61 : i32 to index
        %parallel_loop3A_116 = arith.index_cast %parallel_loop3A_82 : i32 to index
        %parallel_loop3A_117 = arith.constant 80 : index
        %parallel_loop3A_118 = tpu.vector_load %arg13[%parallel_loop3A_115, %parallel_loop3A_116, %parallel_loop3A_117] {strides = array<i32>} : memref<2x80x128xf32, #tpu.memory_space<vmem>>, vector<16xf32>,
        %parallel_loop3A_119 = arith.mulf %parallel_loop3A_118, %parallel_loop3A_89 : vector<16xf32>
        tpu.vector_store_idx %arg14[%parallel_loop3A_84, %add3A_34], %parallel_loop3A_119 {add = true} : memref<512x128xf32, #tpu.memory_space<vmem>>[vector<16xi32>, vector<16xi32>], vector<16xf32>,
        %parallel_loop3A_120 = arith.index_cast %and3A_61 : i32 to index
        %parallel_loop3A_121 = arith.index_cast %parallel_loop3A_82 : i32 to index
        %parallel_loop3A_122 = arith.constant 96 : index
        %parallel_loop3A_123 = tpu.vector_load %arg13[%parallel_loop3A_120, %parallel_loop3A_121, %parallel_loop3A_122] {strides = array<i32>} : memref<2x80x128xf32, #tpu.memory_space<vmem>>, vector<16xf32>,
        %parallel_loop3A_124 = arith.mulf %parallel_loop3A_123, %parallel_loop3A_89 : vector<16xf32>
        tpu.vector_store_idx %arg14[%parallel_loop3A_84, %add3A_37], %parallel_loop3A_124 {add = true} : memref<512x128xf32, #tpu.memory_space<vmem>>[vector<16xi32>, vector<16xi32>], vector<16xf32>,
        %parallel_loop3A_125 = arith.index_cast %and3A_61 : i32 to index
        %parallel_loop3A_126 = arith.index_cast %parallel_loop3A_82 : i32 to index
        %parallel_loop3A_127 = arith.constant 112 : index
        %parallel_loop3A_128 = tpu.vector_load %arg13[%parallel_loop3A_125, %parallel_loop3A_126, %parallel_loop3A_127] {strides = array<i32>} : memref<2x80x128xf32, #tpu.memory_space<vmem>>, vector<16xf32>,
        %parallel_loop3A_129 = arith.mulf %parallel_loop3A_128, %parallel_loop3A_89 : vector<16xf32>
        tpu.vector_store_idx %arg14[%parallel_loop3A_84, %add3A_40], %parallel_loop3A_129 {add = true} : memref<512x128xf32, #tpu.memory_space<vmem>>[vector<16xi32>, vector<16xi32>], vector<16xf32>,
      } {sc.loop_unroll_factor = 8 : i64, sc.parallel_access}
    }
    %scan3A_59 = arith.constant 125 : i32
    "tpu.region"() ({
      %run_scoped3A = tpu.sem_alloc : memref<!tpu.dma_semaphore, #tpu.memory_space<semaphore_mem>>
      %dma_start3A_60 = arith.constant 0 : i32
      %dma_start3A_61 = arith.constant 0 : i32
      %dma_start3A_62 = tpu.memref_slice %arg7[%add3A, %dma_start3A_60, %dma_start3A_61] : memref<32x512x128xf32, #tpu.memory_space<hbm>> -> memref<1x512x128xf32, #tpu.memory_space<hbm>>
      %dma_start3A_63 = tpu.memref_squeeze %dma_start3A_62 : memref<1x512x128xf32, #tpu.memory_space<hbm>> -> memref<512x128xf32, #tpu.memory_space<hbm>>
      %dma_start3A_64 = arith.constant 0 : i32
      %dma_start3A_65 = arith.constant 0 : i32
      %dma_start3A_66 = tpu.memref_slice %arg7[%add3A, %dma_start3A_64, %dma_start3A_65] : memref<32x512x128xf32, #tpu.memory_space<hbm>> -> memref<1x512x128xf32, #tpu.memory_space<hbm>>
      %dma_start3A_67 = tpu.memref_squeeze %dma_start3A_66 : memref<1x512x128xf32, #tpu.memory_space<hbm>> -> memref<512x128xf32, #tpu.memory_space<hbm>>
      tpu.enqueue_dma source(%arg14 : memref<512x128xf32, #tpu.memory_space<vmem>>) target(%dma_start3A_67 : memref<512x128xf32, #tpu.memory_space<hbm>>) target_semaphore(%run_scoped3A : memref<!tpu.dma_semaphore, #tpu.memory_space<semaphore_mem>>)
      %dma_wait3A = arith.constant 0 : i32
      %dma_wait3A_68 = arith.constant 0 : i32
      %dma_wait3A_69 = tpu.memref_slice %arg7[%add3A, %dma_wait3A, %dma_wait3A_68] : memref<32x512x128xf32, #tpu.memory_space<hbm>> -> memref<1x512x128xf32, #tpu.memory_space<hbm>>
      %dma_wait3A_70 = tpu.memref_squeeze %dma_wait3A_69 : memref<1x512x128xf32, #tpu.memory_space<hbm>> -> memref<512x128xf32, #tpu.memory_space<hbm>>
      %dma_wait3A_71 = arith.constant 0 : i32
      %dma_wait3A_72 = arith.constant 0 : i32
      %dma_wait3A_73 = tpu.memref_slice %arg7[%add3A, %dma_wait3A_71, %dma_wait3A_72] : memref<32x512x128xf32, #tpu.memory_space<hbm>> -> memref<1x512x128xf32, #tpu.memory_space<hbm>>
      %dma_wait3A_74 = tpu.memref_squeeze %dma_wait3A_73 : memref<1x512x128xf32, #tpu.memory_space<hbm>> -> memref<512x128xf32, #tpu.memory_space<hbm>>
      tpu.wait_dma2 semaphore(%run_scoped3A : memref<!tpu.dma_semaphore, #tpu.memory_space<semaphore_mem>>) src(%arg14 : memref<512x128xf32, #tpu.memory_space<vmem>>) dst(%dma_wait3A_74 : memref<512x128xf32, #tpu.memory_space<hbm>>)
      tpu.yield
    }) : () -> ()
    return
  }
}

#map = affine_map<(d0, d1) -> (0)>
#map1 = affine_map<(d0, d1) -> (0, 0, 0)>
#map2 = affine_map<(d0, d1) -> (0, 0)>
module attributes {stable_mosaic.version = 14 : i64} {
  func.func @_sca_body(%arg0: i32, %arg1: i32, %arg2: memref<320000xf32, #tpu.memory_space<hbm>>, %arg3: memref<32x125x80xi32, #tpu.memory_space<hbm>>, %arg4: memref<320000xi32, #tpu.memory_space<hbm>>, %arg5: memref<512xf32, #tpu.memory_space<hbm>>, %arg6: memref<16xf32, #tpu.memory_space<hbm>>, %arg7: memref<320000xf32, #tpu.memory_space<hbm>>, %arg8: memref<2x512xf32, #tpu.memory_space<hbm>>, %arg9: memref<16xf32, #tpu.memory_space<vmem>>, %arg10: memref<512xf32, #tpu.memory_space<vmem>>, %arg11: memref<10000xi32, #tpu.memory_space<vmem>>, %arg12: memref<10000xf32, #tpu.memory_space<vmem>>, %arg13: memref<10000xf32, #tpu.memory_space<vmem>>, %arg14: memref<125x80xi32, #tpu.memory_space<vmem>>, %arg15: memref<32xf32, #tpu.memory_space<vmem>>, %arg16: memref<512xf32, #tpu.memory_space<vmem_shared>>, %arg17: memref<!tpu.dma_semaphore, #tpu.memory_space<semaphore_mem>>) attributes {dimension_semantics = [#tpu.dimension_semantics<core_parallel>, #tpu.dimension_semantics<subcore_parallel>], iteration_bounds = array<i64: 2, 16>, scalar_prefetch = 0 : i64, scratch_operands = 9 : i64, tpu.core_type = #tpu.core_type<sc_vector_subcore>, window_params = [{transform_indices = #map}, {transform_indices = #map1}, {transform_indices = #map}, {transform_indices = #map}, {transform_indices = #map}, {transform_indices = #map}, {transform_indices = #map2}]} {
    %mul3A = arith.constant 2 : i32
    %mul3A_0 = arith.muli %arg1, %mul3A : i32
    %add3A = arith.addi %mul3A_0, %arg0 : i32
    %mul3A_1 = arith.constant 10000 : i32
    %mul3A_2 = arith.muli %add3A, %mul3A_1 : i32
    "tpu.region"() ({
      %run_scoped3A = tpu.sem_alloc : memref<!tpu.dma_semaphore, #tpu.memory_space<semaphore_mem>>
      tpu.enqueue_dma source(%arg5 : memref<512xf32, #tpu.memory_space<hbm>>) target(%arg10 : memref<512xf32, #tpu.memory_space<vmem>>) target_semaphore(%run_scoped3A : memref<!tpu.dma_semaphore, #tpu.memory_space<semaphore_mem>>)
      tpu.wait_dma2 semaphore(%run_scoped3A : memref<!tpu.dma_semaphore, #tpu.memory_space<semaphore_mem>>) src(%arg5 : memref<512xf32, #tpu.memory_space<hbm>>) dst(%arg10 : memref<512xf32, #tpu.memory_space<vmem>>)
      tpu.yield
    }) : () -> ()
    "tpu.region"() ({
      %run_scoped3A = tpu.sem_alloc : memref<!tpu.dma_semaphore, #tpu.memory_space<semaphore_mem>>
      tpu.enqueue_dma source(%arg6 : memref<16xf32, #tpu.memory_space<hbm>>) target(%arg9 : memref<16xf32, #tpu.memory_space<vmem>>) target_semaphore(%run_scoped3A : memref<!tpu.dma_semaphore, #tpu.memory_space<semaphore_mem>>)
      tpu.wait_dma2 semaphore(%run_scoped3A : memref<!tpu.dma_semaphore, #tpu.memory_space<semaphore_mem>>) src(%arg6 : memref<16xf32, #tpu.memory_space<hbm>>) dst(%arg9 : memref<16xf32, #tpu.memory_space<vmem>>)
      tpu.yield
    }) : () -> ()
    "tpu.region"() ({
      %run_scoped3A = tpu.sem_alloc : memref<!tpu.dma_semaphore, #tpu.memory_space<semaphore_mem>>
      %dma_start3A = tpu.memref_slice %arg2[%mul3A_2] : memref<320000xf32, #tpu.memory_space<hbm>> -> memref<10000xf32, #tpu.memory_space<hbm>>
      %dma_start3A_25 = tpu.memref_slice %arg2[%mul3A_2] : memref<320000xf32, #tpu.memory_space<hbm>> -> memref<10000xf32, #tpu.memory_space<hbm>>
      tpu.enqueue_dma source(%dma_start3A_25 : memref<10000xf32, #tpu.memory_space<hbm>>) target(%arg12 : memref<10000xf32, #tpu.memory_space<vmem>>) target_semaphore(%run_scoped3A : memref<!tpu.dma_semaphore, #tpu.memory_space<semaphore_mem>>)
      %dma_wait3A = tpu.memref_slice %arg2[%mul3A_2] : memref<320000xf32, #tpu.memory_space<hbm>> -> memref<10000xf32, #tpu.memory_space<hbm>>
      %dma_wait3A_26 = tpu.memref_slice %arg2[%mul3A_2] : memref<320000xf32, #tpu.memory_space<hbm>> -> memref<10000xf32, #tpu.memory_space<hbm>>
      tpu.wait_dma2 semaphore(%run_scoped3A : memref<!tpu.dma_semaphore, #tpu.memory_space<semaphore_mem>>) src(%dma_wait3A_26 : memref<10000xf32, #tpu.memory_space<hbm>>) dst(%arg12 : memref<10000xf32, #tpu.memory_space<vmem>>)
      tpu.yield
    }) : () -> ()
    "tpu.region"() ({
      %run_scoped3A = tpu.sem_alloc : memref<!tpu.dma_semaphore, #tpu.memory_space<semaphore_mem>>
      %dma_start3A = tpu.memref_slice %arg4[%mul3A_2] : memref<320000xi32, #tpu.memory_space<hbm>> -> memref<10000xi32, #tpu.memory_space<hbm>>
      %dma_start3A_25 = tpu.memref_slice %arg4[%mul3A_2] : memref<320000xi32, #tpu.memory_space<hbm>> -> memref<10000xi32, #tpu.memory_space<hbm>>
      tpu.enqueue_dma source(%dma_start3A_25 : memref<10000xi32, #tpu.memory_space<hbm>>) target(%arg11 : memref<10000xi32, #tpu.memory_space<vmem>>) target_semaphore(%run_scoped3A : memref<!tpu.dma_semaphore, #tpu.memory_space<semaphore_mem>>)
      %dma_wait3A = tpu.memref_slice %arg4[%mul3A_2] : memref<320000xi32, #tpu.memory_space<hbm>> -> memref<10000xi32, #tpu.memory_space<hbm>>
      %dma_wait3A_26 = tpu.memref_slice %arg4[%mul3A_2] : memref<320000xi32, #tpu.memory_space<hbm>> -> memref<10000xi32, #tpu.memory_space<hbm>>
      tpu.wait_dma2 semaphore(%run_scoped3A : memref<!tpu.dma_semaphore, #tpu.memory_space<semaphore_mem>>) src(%dma_wait3A_26 : memref<10000xi32, #tpu.memory_space<hbm>>) dst(%arg11 : memref<10000xi32, #tpu.memory_space<vmem>>)
      tpu.yield
    }) : () -> ()
    "tpu.region"() ({
      %run_scoped3A = tpu.sem_alloc : memref<!tpu.dma_semaphore, #tpu.memory_space<semaphore_mem>>
      %dma_start3A = arith.constant 0 : i32
      %dma_start3A_25 = arith.constant 0 : i32
      %dma_start3A_26 = tpu.memref_slice %arg3[%add3A, %dma_start3A, %dma_start3A_25] : memref<32x125x80xi32, #tpu.memory_space<hbm>> -> memref<1x125x80xi32, #tpu.memory_space<hbm>>
      %dma_start3A_27 = tpu.memref_squeeze %dma_start3A_26 : memref<1x125x80xi32, #tpu.memory_space<hbm>> -> memref<125x80xi32, #tpu.memory_space<hbm>>
      %dma_start3A_28 = arith.constant 0 : i32
      %dma_start3A_29 = arith.constant 0 : i32
      %dma_start3A_30 = tpu.memref_slice %arg3[%add3A, %dma_start3A_28, %dma_start3A_29] : memref<32x125x80xi32, #tpu.memory_space<hbm>> -> memref<1x125x80xi32, #tpu.memory_space<hbm>>
      %dma_start3A_31 = tpu.memref_squeeze %dma_start3A_30 : memref<1x125x80xi32, #tpu.memory_space<hbm>> -> memref<125x80xi32, #tpu.memory_space<hbm>>
      tpu.enqueue_dma source(%dma_start3A_31 : memref<125x80xi32, #tpu.memory_space<hbm>>) target(%arg14 : memref<125x80xi32, #tpu.memory_space<vmem>>) target_semaphore(%run_scoped3A : memref<!tpu.dma_semaphore, #tpu.memory_space<semaphore_mem>>)
      %dma_wait3A = arith.constant 0 : i32
      %dma_wait3A_32 = arith.constant 0 : i32
      %dma_wait3A_33 = tpu.memref_slice %arg3[%add3A, %dma_wait3A, %dma_wait3A_32] : memref<32x125x80xi32, #tpu.memory_space<hbm>> -> memref<1x125x80xi32, #tpu.memory_space<hbm>>
      %dma_wait3A_34 = tpu.memref_squeeze %dma_wait3A_33 : memref<1x125x80xi32, #tpu.memory_space<hbm>> -> memref<125x80xi32, #tpu.memory_space<hbm>>
      %dma_wait3A_35 = arith.constant 0 : i32
      %dma_wait3A_36 = arith.constant 0 : i32
      %dma_wait3A_37 = tpu.memref_slice %arg3[%add3A, %dma_wait3A_35, %dma_wait3A_36] : memref<32x125x80xi32, #tpu.memory_space<hbm>> -> memref<1x125x80xi32, #tpu.memory_space<hbm>>
      %dma_wait3A_38 = tpu.memref_squeeze %dma_wait3A_37 : memref<1x125x80xi32, #tpu.memory_space<hbm>> -> memref<125x80xi32, #tpu.memory_space<hbm>>
      tpu.wait_dma2 semaphore(%run_scoped3A : memref<!tpu.dma_semaphore, #tpu.memory_space<semaphore_mem>>) src(%dma_wait3A_38 : memref<125x80xi32, #tpu.memory_space<hbm>>) dst(%arg14 : memref<125x80xi32, #tpu.memory_space<vmem>>)
      tpu.yield
    }) : () -> ()
    %get3A = arith.constant 0 : index
    %get3A_3 = tpu.vector_load %arg9[%get3A] {strides = array<i32>} : memref<16xf32, #tpu.memory_space<vmem>>, vector<16xf32>,
    %parallel_loop3A = arith.constant 0 : i32
    %parallel_loop3A_4 = arith.constant 625 : i32
    %parallel_loop3A_5 = arith.constant 1 : i32
    scf.for %parallel_loop3A_25 = %parallel_loop3A to %parallel_loop3A_4 step %parallel_loop3A_5  : i32 {
      %parallel_loop3A_26 = arith.constant 16 : i32
      %parallel_loop3A_27 = arith.muli %parallel_loop3A_25, %parallel_loop3A_26 : i32
      %parallel_loop3A_28 = arith.index_cast %parallel_loop3A_27 : i32 to index
      %parallel_loop3A_29 = tpu.vector_load %arg11[%parallel_loop3A_28] {strides = array<i32>} : memref<10000xi32, #tpu.memory_space<vmem>>, vector<16xi32>,
      %parallel_loop3A_30 = tpu.vector_load_idx %arg10[%parallel_loop3A_29] : memref<512xf32, #tpu.memory_space<vmem>>[vector<16xi32>], vector<16xf32>,
      %parallel_loop3A_31 = arith.index_cast %parallel_loop3A_27 : i32 to index
      %parallel_loop3A_32 = tpu.vector_load %arg12[%parallel_loop3A_31] {strides = array<i32>} : memref<10000xf32, #tpu.memory_space<vmem>>, vector<16xf32>,
      %parallel_loop3A_33 = arith.addf %parallel_loop3A_32, %parallel_loop3A_30 : vector<16xf32>
      %parallel_loop3A_34 = arith.addf %parallel_loop3A_33, %get3A_3 : vector<16xf32>
      %parallel_loop3A_35 = arith.constant 0.000000e+00 : f32
      %parallel_loop3A_36 = vector.broadcast %parallel_loop3A_35 : f32 to vector<16xf32>
      %parallel_loop3A_37 = arith.cmpf oge, %parallel_loop3A_34, %parallel_loop3A_36 : vector<16xf32>
      %parallel_loop3A_38 = arith.constant 0.00999999977 : f32
      %parallel_loop3A_39 = vector.broadcast %parallel_loop3A_38 : f32 to vector<16xf32>
      %parallel_loop3A_40 = arith.mulf %parallel_loop3A_39, %parallel_loop3A_34 : vector<16xf32>
      %parallel_loop3A_41 = arith.select %parallel_loop3A_37, %parallel_loop3A_34, %parallel_loop3A_40 : vector<16xi1>, vector<16xf32>
      %parallel_loop3A_42 = math.exp %parallel_loop3A_41 : vector<16xf32>
      %parallel_loop3A_43 = arith.index_cast %parallel_loop3A_27 : i32 to index
      %parallel_loop3A_44 = tpu.vector_load %arg13[%parallel_loop3A_43] {strides = array<i32>} : memref<10000xf32, #tpu.memory_space<vmem>>, vector<16xf32>,
      tpu.vector_store %arg13[%parallel_loop3A_43], %parallel_loop3A_42 {strides = array<i32>} : memref<10000xf32, #tpu.memory_space<vmem>>, vector<16xf32>,
    } {sc.loop_unroll_factor = 4 : i64, sc.parallel_access}
    "tpu.region"() ({
      %run_scoped3A = tpu.sem_alloc : memref<!tpu.dma_semaphore, #tpu.memory_space<semaphore_mem>>
      %dma_start3A = tpu.memref_slice %arg7[%mul3A_2] : memref<320000xf32, #tpu.memory_space<hbm>> -> memref<10000xf32, #tpu.memory_space<hbm>>
      %dma_start3A_25 = tpu.memref_slice %arg7[%mul3A_2] : memref<320000xf32, #tpu.memory_space<hbm>> -> memref<10000xf32, #tpu.memory_space<hbm>>
      tpu.enqueue_dma source(%arg13 : memref<10000xf32, #tpu.memory_space<vmem>>) target(%dma_start3A_25 : memref<10000xf32, #tpu.memory_space<hbm>>) target_semaphore(%run_scoped3A : memref<!tpu.dma_semaphore, #tpu.memory_space<semaphore_mem>>)
      %dma_wait3A = tpu.memref_slice %arg7[%mul3A_2] : memref<320000xf32, #tpu.memory_space<hbm>> -> memref<10000xf32, #tpu.memory_space<hbm>>
      %dma_wait3A_26 = tpu.memref_slice %arg7[%mul3A_2] : memref<320000xf32, #tpu.memory_space<hbm>> -> memref<10000xf32, #tpu.memory_space<hbm>>
      tpu.wait_dma2 semaphore(%run_scoped3A : memref<!tpu.dma_semaphore, #tpu.memory_space<semaphore_mem>>) src(%arg13 : memref<10000xf32, #tpu.memory_space<vmem>>) dst(%dma_wait3A_26 : memref<10000xf32, #tpu.memory_space<hbm>>)
      tpu.yield
    }) : () -> ()
    %scan3A = arith.constant 0 : i32
    %scan3A_6 = arith.constant 2 : i32
    %scan3A_7 = arith.addi %scan3A, %scan3A_6 : i32
    %scan3A_8 = arith.constant 1 : i32
    scf.for %scan3A_25 = %scan3A to %scan3A_7 step %scan3A_8  : i32 {
      %broadcast_in_dim3A = arith.constant 0.000000e+00 : f32
      %broadcast_in_dim3A_26 = vector.broadcast %broadcast_in_dim3A : f32 to vector<16xf32>
      %mul3A_27 = arith.constant 16 : i32
      %mul3A_28 = arith.muli %scan3A_25, %mul3A_27 : i32
      %swap3A = arith.index_cast %mul3A_28 : i32 to index
      %swap3A_29 = tpu.vector_load %arg15[%swap3A] {strides = array<i32>} : memref<32xf32, #tpu.memory_space<vmem>>, vector<16xf32>,
      tpu.vector_store %arg15[%swap3A], %broadcast_in_dim3A_26 {strides = array<i32>} : memref<32xf32, #tpu.memory_space<vmem>>, vector<16xf32>,
    }
    %scan3A_9 = arith.constant 2 : i32
    %mul3A_10 = arith.constant 32 : i32
    %mul3A_11 = arith.muli %arg1, %mul3A_10 : i32
    "tpu.region"() ({
      %run_scoped3A = tpu.sem_alloc : memref<!tpu.dma_semaphore, #tpu.memory_space<semaphore_mem>>
      %dma_start3A = tpu.memref_slice %arg16[%mul3A_11] : memref<512xf32, #tpu.memory_space<vmem_shared>> -> memref<32xf32, #tpu.memory_space<vmem_shared>>
      %dma_start3A_25 = tpu.memref_slice %arg16[%mul3A_11] : memref<512xf32, #tpu.memory_space<vmem_shared>> -> memref<32xf32, #tpu.memory_space<vmem_shared>>
      tpu.enqueue_dma source(%arg15 : memref<32xf32, #tpu.memory_space<vmem>>) target(%dma_start3A_25 : memref<32xf32, #tpu.memory_space<vmem_shared>>) target_semaphore(%run_scoped3A : memref<!tpu.dma_semaphore, #tpu.memory_space<semaphore_mem>>)
      %dma_wait3A = tpu.memref_slice %arg16[%mul3A_11] : memref<512xf32, #tpu.memory_space<vmem_shared>> -> memref<32xf32, #tpu.memory_space<vmem_shared>>
      %dma_wait3A_26 = tpu.memref_slice %arg16[%mul3A_11] : memref<512xf32, #tpu.memory_space<vmem_shared>> -> memref<32xf32, #tpu.memory_space<vmem_shared>>
      tpu.wait_dma2 semaphore(%run_scoped3A : memref<!tpu.dma_semaphore, #tpu.memory_space<semaphore_mem>>) src(%arg15 : memref<32xf32, #tpu.memory_space<vmem>>) dst(%dma_wait3A_26 : memref<32xf32, #tpu.memory_space<vmem_shared>>)
      tpu.yield
    }) : () -> ()
    %barrier3A = arith.constant 0 : index
    tpu.barrier barrier_id(%barrier3A)
    %scan3A_12 = arith.constant 0 : i32
    %scan3A_13 = arith.constant 125 : i32
    %scan3A_14 = arith.addi %scan3A_12, %scan3A_13 : i32
    %scan3A_15 = arith.constant 1 : i32
    scf.for %scan3A_25 = %scan3A_12 to %scan3A_14 step %scan3A_15  : i32 {
      %mul3A_26 = arith.constant 80 : i32
      %mul3A_27 = arith.muli %scan3A_25, %mul3A_26 : i32
      %dma_start3A = tpu.memref_slice %arg13[%mul3A_27] : memref<10000xf32, #tpu.memory_space<vmem>> -> memref<80xf32, #tpu.memory_space<vmem>>
      %dma_start3A_28 = arith.constant 0 : i32
      %dma_start3A_29 = tpu.memref_slice %arg14[%scan3A_25, %dma_start3A_28] : memref<125x80xi32, #tpu.memory_space<vmem>> -> memref<1x80xi32, #tpu.memory_space<vmem>>
      %dma_start3A_30 = tpu.memref_squeeze %dma_start3A_29 : memref<1x80xi32, #tpu.memory_space<vmem>> -> memref<80xi32, #tpu.memory_space<vmem>>
      %dma_start3A_31 = arith.constant 0 : i32
      %dma_start3A_32 = tpu.memref_slice %arg16[%dma_start3A_31] : memref<512xf32, #tpu.memory_space<vmem_shared>> -> memref<512xf32, #tpu.memory_space<vmem_shared>>
      tpu.enqueue_indirect_dma source(%dma_start3A : memref<80xf32, #tpu.memory_space<vmem>>) target(%dma_start3A_32 : memref<512xf32, #tpu.memory_space<vmem_shared>>) offsets(%dma_start3A_30 : memref<80xi32, #tpu.memory_space<vmem>>) semaphore(%arg17 : memref<!tpu.dma_semaphore, #tpu.memory_space<semaphore_mem>>) {add = true}
    }
    %scan3A_16 = arith.constant 125 : i32
    %scan3A_17 = arith.constant 0 : i32
    %scan3A_18 = arith.constant 125 : i32
    %scan3A_19 = arith.addi %scan3A_17, %scan3A_18 : i32
    %scan3A_20 = arith.constant 1 : i32
    scf.for %scan3A_25 = %scan3A_17 to %scan3A_19 step %scan3A_20  : i32 {
      %mul3A_26 = arith.constant 80 : i32
      %mul3A_27 = arith.muli %scan3A_25, %mul3A_26 : i32
      %dma_wait3A = tpu.memref_slice %arg13[%mul3A_27] : memref<10000xf32, #tpu.memory_space<vmem>> -> memref<80xf32, #tpu.memory_space<vmem>>
      %dma_wait3A_28 = arith.constant 0 : i32
      %dma_wait3A_29 = tpu.memref_slice %arg14[%scan3A_25, %dma_wait3A_28] : memref<125x80xi32, #tpu.memory_space<vmem>> -> memref<1x80xi32, #tpu.memory_space<vmem>>
      %dma_wait3A_30 = tpu.memref_squeeze %dma_wait3A_29 : memref<1x80xi32, #tpu.memory_space<vmem>> -> memref<80xi32, #tpu.memory_space<vmem>>
      %dma_wait3A_31 = arith.constant 0 : i32
      %dma_wait3A_32 = tpu.memref_slice %arg16[%dma_wait3A_31] : memref<512xf32, #tpu.memory_space<vmem_shared>> -> memref<512xf32, #tpu.memory_space<vmem_shared>>
      tpu.wait_indirect_dma semaphore(%arg17 : memref<!tpu.dma_semaphore, #tpu.memory_space<semaphore_mem>>) src(%dma_wait3A : memref<80xf32, #tpu.memory_space<vmem>>) dst(%dma_wait3A_32 : memref<512xf32, #tpu.memory_space<vmem_shared>>)
    }
    %scan3A_21 = arith.constant 125 : i32
    %barrier3A_22 = arith.constant 0 : index
    tpu.barrier barrier_id(%barrier3A_22)
    %eq3A = arith.constant 0 : i32
    %eq3A_23 = arith.cmpi eq, %arg1, %eq3A : i32
    %convert_element_type3A = arith.extui %eq3A_23 : i1 to i32
    %cond3A = arith.constant 0 : i32
    %cond3A_24 = arith.cmpi ne, %convert_element_type3A, %cond3A : i32
    scf.if %cond3A_24 {
      "tpu.region"() ({
        %run_scoped3A = tpu.sem_alloc : memref<!tpu.dma_semaphore, #tpu.memory_space<semaphore_mem>>
        %dma_start3A = arith.constant 0 : i32
        %dma_start3A_25 = tpu.memref_slice %arg8[%arg0, %dma_start3A] : memref<2x512xf32, #tpu.memory_space<hbm>> -> memref<1x512xf32, #tpu.memory_space<hbm>>
        %dma_start3A_26 = tpu.memref_squeeze %dma_start3A_25 : memref<1x512xf32, #tpu.memory_space<hbm>> -> memref<512xf32, #tpu.memory_space<hbm>>
        tpu.enqueue_dma source(%arg16 : memref<512xf32, #tpu.memory_space<vmem_shared>>) target(%dma_start3A_26 : memref<512xf32, #tpu.memory_space<hbm>>) target_semaphore(%run_scoped3A : memref<!tpu.dma_semaphore, #tpu.memory_space<semaphore_mem>>)
        %dma_wait3A = arith.constant 0 : i32
        %dma_wait3A_27 = tpu.memref_slice %arg8[%arg0, %dma_wait3A] : memref<2x512xf32, #tpu.memory_space<hbm>> -> memref<1x512xf32, #tpu.memory_space<hbm>>
        %dma_wait3A_28 = tpu.memref_squeeze %dma_wait3A_27 : memref<1x512xf32, #tpu.memory_space<hbm>> -> memref<512xf32, #tpu.memory_space<hbm>>
        tpu.wait_dma2 semaphore(%run_scoped3A : memref<!tpu.dma_semaphore, #tpu.memory_space<semaphore_mem>>) src(%arg16 : memref<512xf32, #tpu.memory_space<vmem_shared>>) dst(%dma_wait3A_28 : memref<512xf32, #tpu.memory_space<hbm>>)
        tpu.yield
      }) : () -> ()
    } else {
    }
    return
  }
}

module attributes {stable_mosaic.version = 14 : i64} {
  func.func @_body1(%arg0: i32, %arg1: memref<8000x128xf32, #tpu.memory_space<vmem>>, %arg2: memref<256x1xf32, #tpu.memory_space<vmem>>, %arg3: memref<128x128xf32, #tpu.memory_space<vmem>>, %arg4: memref<1x128xf32, #tpu.memory_space<vmem>>, %arg5: memref<512x128xf32, #tpu.memory_space<vmem>>, %arg6: memref<1x1x8000xf32, #tpu.memory_space<vmem>>, %arg7: memref<8000x128xf32, #tpu.memory_space<vmem>>, %arg8: memref<4x128xf32, #tpu.memory_space<vmem>>) attributes {dimension_semantics = [#tpu.dimension_semantics<arbitrary>], iteration_bounds = array<i64: 40>, scalar_prefetch = 0 : i64, scratch_operands = 0 : i64, tpu.core_type = #tpu.core_type<tc>, window_params = [{transform_indices = @transform_0, window_bounds = array<i64: 8000, 128>}, {pipeline_mode = #tpu.pipeline_mode<synchronous>, transform_indices = @transform_1, window_bounds = array<i64: 256, 1>}, {pipeline_mode = #tpu.pipeline_mode<synchronous>, transform_indices = @transform_2, window_bounds = array<i64: 128, 128>}, {pipeline_mode = #tpu.pipeline_mode<synchronous>, transform_indices = @transform_3, window_bounds = array<i64: 1, 128>}, {pipeline_mode = #tpu.pipeline_mode<synchronous>, transform_indices = @transform_4, window_bounds = array<i64: 512, 128>}, {transform_indices = @transform_5, window_bounds = array<i64: 1, 1, 8000>}, {transform_indices = @transform_6, window_bounds = array<i64: 8000, 128>}, {pipeline_mode = #tpu.pipeline_mode<synchronous>, transform_indices = @transform_7, window_bounds = array<i64: 4, 128>}]} {
    %eq3A = arith.constant 0 : i32
    %eq3A_0 = arith.cmpi eq, %arg0, %eq3A : i32
    %convert_element_type3A = arith.extui %eq3A_0 : i1 to i32
    %cond3A = arith.constant 0 : i32
    %cond3A_1 = arith.cmpi ne, %convert_element_type3A, %cond3A : i32
    scf.if %cond3A_1 {
      %get3A_29 = arith.constant 0 : index
      %get3A_30 = arith.constant 0 : index
      %get3A_31 = vector.load %arg5[%get3A_29, %get3A_30] : memref<512x128xf32, #tpu.memory_space<vmem>>, vector<512x128xf32>
      %ge3A_32 = arith.constant 0.000000e+00 : f32
      %ge3A_33 = vector.broadcast %ge3A_32 : f32 to vector<512x128xf32>
      %ge3A_34 = arith.cmpf oge, %get3A_31, %ge3A_33 : vector<512x128xf32>
      %mul3A_35 = arith.constant 0.00999999977 : f32
      %mul3A_36 = vector.broadcast %mul3A_35 : f32 to vector<512x128xf32>
      %mul3A_37 = arith.mulf %mul3A_36, %get3A_31 : vector<512x128xf32>
      %select_n3A_38 = arith.select %ge3A_34, %get3A_31, %mul3A_37 : vector<512x128xi1>, vector<512x128xf32>
      %get3A_39 = arith.constant 0 : index
      %get3A_40 = arith.constant 0 : index
      %get3A_41 = vector.load %arg2[%get3A_39, %get3A_40] : memref<256x1xf32, #tpu.memory_space<vmem>>, vector<128x1xf32>
      %dot_general3A_42 = arith.constant dense<0.000000e+00> : vector<512x1xf32>
      %dot_general3A_43 = tpu.matmul %select_n3A_38, %get3A_41, %dot_general3A_42 {dimension_numbers = #tpu.dot_dimension_numbers<[1], [0], [0], [1], [0, 0, 1, 1], [], []>, transpose_lhs_hint = false} : vector<512x128xf32>, vector<128x1xf32>, vector<512x1xf32> -> vector<512x1xf32>
      %iota3A = tpu.iota {dimensions = array<i32: 0>} : vector<128x128xi32>
      %iota3A_44 = tpu.iota {dimensions = array<i32: 1>} : vector<128x128xi32>
      %eq3A_45 = arith.cmpi eq, %iota3A, %iota3A_44 : vector<128x128xi32>
      %convert_element_type3A_46 = arith.extui %eq3A_45 : vector<128x128xi1> to vector<128x128xi32>
      %convert_element_type3A_47 = arith.sitofp %convert_element_type3A_46 : vector<128x128xi32> to vector<128x128xf32>
      %slice3A = vector.extract_strided_slice %dot_general3A_43 {offsets = [0, 0], sizes = [128, 1], strides = [1, 1]} : vector<512x1xf32> to vector<128x1xf32>
      %dot_general3A_48 = arith.constant dense<0.000000e+00> : vector<1x128xf32>
      %dot_general3A_49 = tpu.matmul %slice3A, %convert_element_type3A_47, %dot_general3A_48 {dimension_numbers = #tpu.dot_dimension_numbers<[0], [0], [1], [1], [0, 1, 1, 1], [], []>, transpose_lhs_hint = false} : vector<128x1xf32>, vector<128x128xf32>, vector<1x128xf32> -> vector<1x128xf32>
      %slice3A_50 = vector.extract_strided_slice %dot_general3A_43 {offsets = [128, 0], sizes = [128, 1], strides = [1, 1]} : vector<512x1xf32> to vector<128x1xf32>
      %dot_general3A_51 = arith.constant dense<0.000000e+00> : vector<1x128xf32>
      %dot_general3A_52 = tpu.matmul %slice3A_50, %convert_element_type3A_47, %dot_general3A_51 {dimension_numbers = #tpu.dot_dimension_numbers<[0], [0], [1], [1], [0, 1, 1, 1], [], []>, transpose_lhs_hint = false} : vector<128x1xf32>, vector<128x128xf32>, vector<1x128xf32> -> vector<1x128xf32>
      %slice3A_53 = vector.extract_strided_slice %dot_general3A_43 {offsets = [256, 0], sizes = [128, 1], strides = [1, 1]} : vector<512x1xf32> to vector<128x1xf32>
      %dot_general3A_54 = arith.constant dense<0.000000e+00> : vector<1x128xf32>
      %dot_general3A_55 = tpu.matmul %slice3A_53, %convert_element_type3A_47, %dot_general3A_54 {dimension_numbers = #tpu.dot_dimension_numbers<[0], [0], [1], [1], [0, 1, 1, 1], [], []>, transpose_lhs_hint = false} : vector<128x1xf32>, vector<128x128xf32>, vector<1x128xf32> -> vector<1x128xf32>
      %slice3A_56 = vector.extract_strided_slice %dot_general3A_43 {offsets = [384, 0], sizes = [128, 1], strides = [1, 1]} : vector<512x1xf32> to vector<128x1xf32>
      %dot_general3A_57 = arith.constant dense<0.000000e+00> : vector<1x128xf32>
      %dot_general3A_58 = tpu.matmul %slice3A_56, %convert_element_type3A_47, %dot_general3A_57 {dimension_numbers = #tpu.dot_dimension_numbers<[0], [0], [1], [1], [0, 1, 1, 1], [], []>, transpose_lhs_hint = false} : vector<128x1xf32>, vector<128x128xf32>, vector<1x128xf32> -> vector<1x128xf32>
      %concatenate3A = tpu.concatenate %dot_general3A_49, %dot_general3A_52, %dot_general3A_55, %dot_general3A_58 in 0 : vector<1x128xf32>, vector<1x128xf32>, vector<1x128xf32>, vector<1x128xf32> -> vector<4x128xf32>
      %swap3A_59 = arith.constant 0 : index
      %swap3A_60 = arith.constant 0 : index
      %swap3A_61 = vector.load %arg8[%swap3A_59, %swap3A_60] : memref<4x128xf32, #tpu.memory_space<vmem>>, vector<4x128xf32>
      tpu.vector_store %arg8[%swap3A_59, %swap3A_60], %concatenate3A {strides = array<i32>} : memref<4x128xf32, #tpu.memory_space<vmem>>, vector<4x128xf32>,
    } else {
    }
    %get3A = arith.constant 0 : index
    %get3A_2 = arith.constant 0 : index
    %get3A_3 = vector.load %arg1[%get3A, %get3A_2] : memref<8000x128xf32, #tpu.memory_space<vmem>>, vector<8000x128xf32>
    %get3A_4 = arith.constant 128 : index
    %get3A_5 = arith.constant 0 : index
    %get3A_6 = vector.load %arg2[%get3A_4, %get3A_5] : memref<256x1xf32, #tpu.memory_space<vmem>>, vector<128x1xf32>
    %dot_general3A = arith.constant dense<0.000000e+00> : vector<1x8000xf32>
    %dot_general3A_7 = tpu.matmul %get3A_6, %get3A_3, %dot_general3A {dimension_numbers = #tpu.dot_dimension_numbers<[0], [1], [1], [0], [0, 1, 1, 0], [], []>, transpose_lhs_hint = false} : vector<128x1xf32>, vector<8000x128xf32>, vector<1x8000xf32> -> vector<1x8000xf32>
    %swap3A = arith.constant 0 : index
    %swap3A_8 = arith.constant 0 : index
    %swap3A_9 = arith.constant 0 : index
    %swap3A_10 = vector.load %arg6[%swap3A, %swap3A_8, %swap3A_9] : memref<1x1x8000xf32, #tpu.memory_space<vmem>>, vector<1x1x8000xf32>
    %swap3A_11 = vector.shape_cast %swap3A_10 : vector<1x1x8000xf32> to vector<1x8000xf32>
    %swap3A_12 = vector.shape_cast %dot_general3A_7 : vector<1x8000xf32> to vector<1x1x8000xf32>
    tpu.vector_store %arg6[%swap3A, %swap3A_8, %swap3A_9], %swap3A_12 {strides = array<i32>} : memref<1x1x8000xf32, #tpu.memory_space<vmem>>, vector<1x1x8000xf32>,
    %get3A_13 = arith.constant 0 : index
    %get3A_14 = arith.constant 0 : index
    %get3A_15 = vector.load %arg3[%get3A_13, %get3A_14] : memref<128x128xf32, #tpu.memory_space<vmem>>, vector<128x128xf32>
    %dot_general3A_16 = arith.constant dense<0.000000e+00> : vector<8000x128xf32>
    %dot_general3A_17 = tpu.matmul %get3A_3, %get3A_15, %dot_general3A_16 {dimension_numbers = #tpu.dot_dimension_numbers<[1], [0], [0], [1], [0, 0, 1, 1], [], []>, transpose_lhs_hint = false} : vector<8000x128xf32>, vector<128x128xf32>, vector<8000x128xf32> -> vector<8000x128xf32>
    %get3A_18 = arith.constant 0 : index
    %get3A_19 = arith.constant 0 : index
    %get3A_20 = vector.load %arg4[%get3A_18, %get3A_19] : memref<1x128xf32, #tpu.memory_space<vmem>>, vector<1x128xf32>
    %add3A = vector.broadcast %get3A_20 : vector<1x128xf32> to vector<8000x128xf32>
    %add3A_21 = arith.addf %dot_general3A_17, %add3A : vector<8000x128xf32>
    %ge3A = arith.constant 0.000000e+00 : f32
    %ge3A_22 = vector.broadcast %ge3A : f32 to vector<8000x128xf32>
    %ge3A_23 = arith.cmpf oge, %add3A_21, %ge3A_22 : vector<8000x128xf32>
    %mul3A = arith.constant 0.00999999977 : f32
    %mul3A_24 = vector.broadcast %mul3A : f32 to vector<8000x128xf32>
    %mul3A_25 = arith.mulf %mul3A_24, %add3A_21 : vector<8000x128xf32>
    %select_n3A = arith.select %ge3A_23, %add3A_21, %mul3A_25 : vector<8000x128xi1>, vector<8000x128xf32>
    %swap3A_26 = arith.constant 0 : index
    %swap3A_27 = arith.constant 0 : index
    %swap3A_28 = vector.load %arg7[%swap3A_26, %swap3A_27] : memref<8000x128xf32, #tpu.memory_space<vmem>>, vector<8000x128xf32>
    tpu.vector_store %arg7[%swap3A_26, %swap3A_27], %select_n3A {strides = array<i32>} : memref<8000x128xf32, #tpu.memory_space<vmem>>, vector<8000x128xf32>,
    return
  }
  func.func @transform_0(%arg0: i32) -> (i32, i32) {
    %c0_i32 = arith.constant 0 : i32
    %c0_i32_0 = arith.constant 0 : i32
    return %arg0, %c0_i32 : i32, i32
  }
  func.func @transform_1(%arg0: i32) -> (i32, i32) {
    %c0_i32 = arith.constant 0 : i32
    %c0_i32_0 = arith.constant 0 : i32
    %c0_i32_1 = arith.constant 0 : i32
    return %c0_i32, %c0_i32_0 : i32, i32
  }
  func.func @transform_2(%arg0: i32) -> (i32, i32) {
    %c0_i32 = arith.constant 0 : i32
    %c0_i32_0 = arith.constant 0 : i32
    %c0_i32_1 = arith.constant 0 : i32
    return %c0_i32, %c0_i32_0 : i32, i32
  }
  func.func @transform_3(%arg0: i32) -> (i32, i32) {
    %c0_i32 = arith.constant 0 : i32
    %c0_i32_0 = arith.constant 0 : i32
    %c0_i32_1 = arith.constant 0 : i32
    return %c0_i32, %c0_i32_0 : i32, i32
  }
  func.func @transform_4(%arg0: i32) -> (i32, i32) {
    %c0_i32 = arith.constant 0 : i32
    %c0_i32_0 = arith.constant 0 : i32
    %c0_i32_1 = arith.constant 0 : i32
    return %c0_i32, %c0_i32_0 : i32, i32
  }
  func.func @transform_5(%arg0: i32) -> (i32, i32, i32) {
    %c0_i32 = arith.constant 0 : i32
    %c0_i32_0 = arith.constant 0 : i32
    %c0_i32_1 = arith.constant 0 : i32
    return %arg0, %c0_i32, %c0_i32_0 : i32, i32, i32
  }
  func.func @transform_6(%arg0: i32) -> (i32, i32) {
    %c0_i32 = arith.constant 0 : i32
    %c0_i32_0 = arith.constant 0 : i32
    return %arg0, %c0_i32 : i32, i32
  }
  func.func @transform_7(%arg0: i32) -> (i32, i32) {
    %c0_i32 = arith.constant 0 : i32
    %c0_i32_0 = arith.constant 0 : i32
    %c0_i32_1 = arith.constant 0 : i32
    return %c0_i32, %c0_i32_0 : i32, i32
  }
}

module attributes {stable_mosaic.version = 14 : i64} {
  func.func @_body2(%arg0: i32, %arg1: memref<32x512x128xf32, #tpu.memory_space<vmem>>, %arg2: memref<512x128xf32, #tpu.memory_space<vmem>>, %arg3: memref<256x128xf32, #tpu.memory_space<vmem>>, %arg4: memref<1x128xf32, #tpu.memory_space<vmem>>, %arg5: memref<128x128xf32, #tpu.memory_space<vmem>>, %arg6: memref<1x128xf32, #tpu.memory_space<vmem>>, %arg7: memref<512x128xf32, #tpu.memory_space<vmem>>) attributes {dimension_semantics = [#tpu.dimension_semantics<arbitrary>], iteration_bounds = array<i64: 1>, scalar_prefetch = 0 : i64, scratch_operands = 0 : i64, tpu.core_type = #tpu.core_type<tc>, window_params = [{pipeline_mode = #tpu.pipeline_mode<synchronous>, transform_indices = @transform_0, window_bounds = array<i64: 32, 512, 128>}, {pipeline_mode = #tpu.pipeline_mode<synchronous>, transform_indices = @transform_1, window_bounds = array<i64: 512, 128>}, {pipeline_mode = #tpu.pipeline_mode<synchronous>, transform_indices = @transform_2, window_bounds = array<i64: 256, 128>}, {pipeline_mode = #tpu.pipeline_mode<synchronous>, transform_indices = @transform_3, window_bounds = array<i64: 1, 128>}, {pipeline_mode = #tpu.pipeline_mode<synchronous>, transform_indices = @transform_4, window_bounds = array<i64: 128, 128>}, {pipeline_mode = #tpu.pipeline_mode<synchronous>, transform_indices = @transform_5, window_bounds = array<i64: 1, 128>}, {pipeline_mode = #tpu.pipeline_mode<synchronous>, transform_indices = @transform_6, window_bounds = array<i64: 512, 128>}]} {
    %get3A = arith.constant 0 : index
    %get3A_0 = arith.constant 0 : index
    %get3A_1 = arith.constant 0 : index
    %get3A_2 = vector.load %arg1[%get3A, %get3A_0, %get3A_1] : memref<32x512x128xf32, #tpu.memory_space<vmem>>, vector<1x512x128xf32>
    %get3A_3 = vector.shape_cast %get3A_2 : vector<1x512x128xf32> to vector<512x128xf32>
    %get3A_4 = arith.constant 1 : index
    %get3A_5 = arith.constant 0 : index
    %get3A_6 = arith.constant 0 : index
    %get3A_7 = vector.load %arg1[%get3A_4, %get3A_5, %get3A_6] : memref<32x512x128xf32, #tpu.memory_space<vmem>>, vector<1x512x128xf32>
    %get3A_8 = vector.shape_cast %get3A_7 : vector<1x512x128xf32> to vector<512x128xf32>
    %add3A = arith.addf %get3A_3, %get3A_8 : vector<512x128xf32>
    %get3A_9 = arith.constant 2 : index
    %get3A_10 = arith.constant 0 : index
    %get3A_11 = arith.constant 0 : index
    %get3A_12 = vector.load %arg1[%get3A_9, %get3A_10, %get3A_11] : memref<32x512x128xf32, #tpu.memory_space<vmem>>, vector<1x512x128xf32>
    %get3A_13 = vector.shape_cast %get3A_12 : vector<1x512x128xf32> to vector<512x128xf32>
    %add3A_14 = arith.addf %add3A, %get3A_13 : vector<512x128xf32>
    %get3A_15 = arith.constant 3 : index
    %get3A_16 = arith.constant 0 : index
    %get3A_17 = arith.constant 0 : index
    %get3A_18 = vector.load %arg1[%get3A_15, %get3A_16, %get3A_17] : memref<32x512x128xf32, #tpu.memory_space<vmem>>, vector<1x512x128xf32>
    %get3A_19 = vector.shape_cast %get3A_18 : vector<1x512x128xf32> to vector<512x128xf32>
    %add3A_20 = arith.addf %add3A_14, %get3A_19 : vector<512x128xf32>
    %get3A_21 = arith.constant 4 : index
    %get3A_22 = arith.constant 0 : index
    %get3A_23 = arith.constant 0 : index
    %get3A_24 = vector.load %arg1[%get3A_21, %get3A_22, %get3A_23] : memref<32x512x128xf32, #tpu.memory_space<vmem>>, vector<1x512x128xf32>
    %get3A_25 = vector.shape_cast %get3A_24 : vector<1x512x128xf32> to vector<512x128xf32>
    %add3A_26 = arith.addf %add3A_20, %get3A_25 : vector<512x128xf32>
    %get3A_27 = arith.constant 5 : index
    %get3A_28 = arith.constant 0 : index
    %get3A_29 = arith.constant 0 : index
    %get3A_30 = vector.load %arg1[%get3A_27, %get3A_28, %get3A_29] : memref<32x512x128xf32, #tpu.memory_space<vmem>>, vector<1x512x128xf32>
    %get3A_31 = vector.shape_cast %get3A_30 : vector<1x512x128xf32> to vector<512x128xf32>
    %add3A_32 = arith.addf %add3A_26, %get3A_31 : vector<512x128xf32>
    %get3A_33 = arith.constant 6 : index
    %get3A_34 = arith.constant 0 : index
    %get3A_35 = arith.constant 0 : index
    %get3A_36 = vector.load %arg1[%get3A_33, %get3A_34, %get3A_35] : memref<32x512x128xf32, #tpu.memory_space<vmem>>, vector<1x512x128xf32>
    %get3A_37 = vector.shape_cast %get3A_36 : vector<1x512x128xf32> to vector<512x128xf32>
    %add3A_38 = arith.addf %add3A_32, %get3A_37 : vector<512x128xf32>
    %get3A_39 = arith.constant 7 : index
    %get3A_40 = arith.constant 0 : index
    %get3A_41 = arith.constant 0 : index
    %get3A_42 = vector.load %arg1[%get3A_39, %get3A_40, %get3A_41] : memref<32x512x128xf32, #tpu.memory_space<vmem>>, vector<1x512x128xf32>
    %get3A_43 = vector.shape_cast %get3A_42 : vector<1x512x128xf32> to vector<512x128xf32>
    %add3A_44 = arith.addf %add3A_38, %get3A_43 : vector<512x128xf32>
    %get3A_45 = arith.constant 8 : index
    %get3A_46 = arith.constant 0 : index
    %get3A_47 = arith.constant 0 : index
    %get3A_48 = vector.load %arg1[%get3A_45, %get3A_46, %get3A_47] : memref<32x512x128xf32, #tpu.memory_space<vmem>>, vector<1x512x128xf32>
    %get3A_49 = vector.shape_cast %get3A_48 : vector<1x512x128xf32> to vector<512x128xf32>
    %add3A_50 = arith.addf %add3A_44, %get3A_49 : vector<512x128xf32>
    %get3A_51 = arith.constant 9 : index
    %get3A_52 = arith.constant 0 : index
    %get3A_53 = arith.constant 0 : index
    %get3A_54 = vector.load %arg1[%get3A_51, %get3A_52, %get3A_53] : memref<32x512x128xf32, #tpu.memory_space<vmem>>, vector<1x512x128xf32>
    %get3A_55 = vector.shape_cast %get3A_54 : vector<1x512x128xf32> to vector<512x128xf32>
    %add3A_56 = arith.addf %add3A_50, %get3A_55 : vector<512x128xf32>
    %get3A_57 = arith.constant 10 : index
    %get3A_58 = arith.constant 0 : index
    %get3A_59 = arith.constant 0 : index
    %get3A_60 = vector.load %arg1[%get3A_57, %get3A_58, %get3A_59] : memref<32x512x128xf32, #tpu.memory_space<vmem>>, vector<1x512x128xf32>
    %get3A_61 = vector.shape_cast %get3A_60 : vector<1x512x128xf32> to vector<512x128xf32>
    %add3A_62 = arith.addf %add3A_56, %get3A_61 : vector<512x128xf32>
    %get3A_63 = arith.constant 11 : index
    %get3A_64 = arith.constant 0 : index
    %get3A_65 = arith.constant 0 : index
    %get3A_66 = vector.load %arg1[%get3A_63, %get3A_64, %get3A_65] : memref<32x512x128xf32, #tpu.memory_space<vmem>>, vector<1x512x128xf32>
    %get3A_67 = vector.shape_cast %get3A_66 : vector<1x512x128xf32> to vector<512x128xf32>
    %add3A_68 = arith.addf %add3A_62, %get3A_67 : vector<512x128xf32>
    %get3A_69 = arith.constant 12 : index
    %get3A_70 = arith.constant 0 : index
    %get3A_71 = arith.constant 0 : index
    %get3A_72 = vector.load %arg1[%get3A_69, %get3A_70, %get3A_71] : memref<32x512x128xf32, #tpu.memory_space<vmem>>, vector<1x512x128xf32>
    %get3A_73 = vector.shape_cast %get3A_72 : vector<1x512x128xf32> to vector<512x128xf32>
    %add3A_74 = arith.addf %add3A_68, %get3A_73 : vector<512x128xf32>
    %get3A_75 = arith.constant 13 : index
    %get3A_76 = arith.constant 0 : index
    %get3A_77 = arith.constant 0 : index
    %get3A_78 = vector.load %arg1[%get3A_75, %get3A_76, %get3A_77] : memref<32x512x128xf32, #tpu.memory_space<vmem>>, vector<1x512x128xf32>
    %get3A_79 = vector.shape_cast %get3A_78 : vector<1x512x128xf32> to vector<512x128xf32>
    %add3A_80 = arith.addf %add3A_74, %get3A_79 : vector<512x128xf32>
    %get3A_81 = arith.constant 14 : index
    %get3A_82 = arith.constant 0 : index
    %get3A_83 = arith.constant 0 : index
    %get3A_84 = vector.load %arg1[%get3A_81, %get3A_82, %get3A_83] : memref<32x512x128xf32, #tpu.memory_space<vmem>>, vector<1x512x128xf32>
    %get3A_85 = vector.shape_cast %get3A_84 : vector<1x512x128xf32> to vector<512x128xf32>
    %add3A_86 = arith.addf %add3A_80, %get3A_85 : vector<512x128xf32>
    %get3A_87 = arith.constant 15 : index
    %get3A_88 = arith.constant 0 : index
    %get3A_89 = arith.constant 0 : index
    %get3A_90 = vector.load %arg1[%get3A_87, %get3A_88, %get3A_89] : memref<32x512x128xf32, #tpu.memory_space<vmem>>, vector<1x512x128xf32>
    %get3A_91 = vector.shape_cast %get3A_90 : vector<1x512x128xf32> to vector<512x128xf32>
    %add3A_92 = arith.addf %add3A_86, %get3A_91 : vector<512x128xf32>
    %get3A_93 = arith.constant 16 : index
    %get3A_94 = arith.constant 0 : index
    %get3A_95 = arith.constant 0 : index
    %get3A_96 = vector.load %arg1[%get3A_93, %get3A_94, %get3A_95] : memref<32x512x128xf32, #tpu.memory_space<vmem>>, vector<1x512x128xf32>
    %get3A_97 = vector.shape_cast %get3A_96 : vector<1x512x128xf32> to vector<512x128xf32>
    %add3A_98 = arith.addf %add3A_92, %get3A_97 : vector<512x128xf32>
    %get3A_99 = arith.constant 17 : index
    %get3A_100 = arith.constant 0 : index
    %get3A_101 = arith.constant 0 : index
    %get3A_102 = vector.load %arg1[%get3A_99, %get3A_100, %get3A_101] : memref<32x512x128xf32, #tpu.memory_space<vmem>>, vector<1x512x128xf32>
    %get3A_103 = vector.shape_cast %get3A_102 : vector<1x512x128xf32> to vector<512x128xf32>
    %add3A_104 = arith.addf %add3A_98, %get3A_103 : vector<512x128xf32>
    %get3A_105 = arith.constant 18 : index
    %get3A_106 = arith.constant 0 : index
    %get3A_107 = arith.constant 0 : index
    %get3A_108 = vector.load %arg1[%get3A_105, %get3A_106, %get3A_107] : memref<32x512x128xf32, #tpu.memory_space<vmem>>, vector<1x512x128xf32>
    %get3A_109 = vector.shape_cast %get3A_108 : vector<1x512x128xf32> to vector<512x128xf32>
    %add3A_110 = arith.addf %add3A_104, %get3A_109 : vector<512x128xf32>
    %get3A_111 = arith.constant 19 : index
    %get3A_112 = arith.constant 0 : index
    %get3A_113 = arith.constant 0 : index
    %get3A_114 = vector.load %arg1[%get3A_111, %get3A_112, %get3A_113] : memref<32x512x128xf32, #tpu.memory_space<vmem>>, vector<1x512x128xf32>
    %get3A_115 = vector.shape_cast %get3A_114 : vector<1x512x128xf32> to vector<512x128xf32>
    %add3A_116 = arith.addf %add3A_110, %get3A_115 : vector<512x128xf32>
    %get3A_117 = arith.constant 20 : index
    %get3A_118 = arith.constant 0 : index
    %get3A_119 = arith.constant 0 : index
    %get3A_120 = vector.load %arg1[%get3A_117, %get3A_118, %get3A_119] : memref<32x512x128xf32, #tpu.memory_space<vmem>>, vector<1x512x128xf32>
    %get3A_121 = vector.shape_cast %get3A_120 : vector<1x512x128xf32> to vector<512x128xf32>
    %add3A_122 = arith.addf %add3A_116, %get3A_121 : vector<512x128xf32>
    %get3A_123 = arith.constant 21 : index
    %get3A_124 = arith.constant 0 : index
    %get3A_125 = arith.constant 0 : index
    %get3A_126 = vector.load %arg1[%get3A_123, %get3A_124, %get3A_125] : memref<32x512x128xf32, #tpu.memory_space<vmem>>, vector<1x512x128xf32>
    %get3A_127 = vector.shape_cast %get3A_126 : vector<1x512x128xf32> to vector<512x128xf32>
    %add3A_128 = arith.addf %add3A_122, %get3A_127 : vector<512x128xf32>
    %get3A_129 = arith.constant 22 : index
    %get3A_130 = arith.constant 0 : index
    %get3A_131 = arith.constant 0 : index
    %get3A_132 = vector.load %arg1[%get3A_129, %get3A_130, %get3A_131] : memref<32x512x128xf32, #tpu.memory_space<vmem>>, vector<1x512x128xf32>
    %get3A_133 = vector.shape_cast %get3A_132 : vector<1x512x128xf32> to vector<512x128xf32>
    %add3A_134 = arith.addf %add3A_128, %get3A_133 : vector<512x128xf32>
    %get3A_135 = arith.constant 23 : index
    %get3A_136 = arith.constant 0 : index
    %get3A_137 = arith.constant 0 : index
    %get3A_138 = vector.load %arg1[%get3A_135, %get3A_136, %get3A_137] : memref<32x512x128xf32, #tpu.memory_space<vmem>>, vector<1x512x128xf32>
    %get3A_139 = vector.shape_cast %get3A_138 : vector<1x512x128xf32> to vector<512x128xf32>
    %add3A_140 = arith.addf %add3A_134, %get3A_139 : vector<512x128xf32>
    %get3A_141 = arith.constant 24 : index
    %get3A_142 = arith.constant 0 : index
    %get3A_143 = arith.constant 0 : index
    %get3A_144 = vector.load %arg1[%get3A_141, %get3A_142, %get3A_143] : memref<32x512x128xf32, #tpu.memory_space<vmem>>, vector<1x512x128xf32>
    %get3A_145 = vector.shape_cast %get3A_144 : vector<1x512x128xf32> to vector<512x128xf32>
    %add3A_146 = arith.addf %add3A_140, %get3A_145 : vector<512x128xf32>
    %get3A_147 = arith.constant 25 : index
    %get3A_148 = arith.constant 0 : index
    %get3A_149 = arith.constant 0 : index
    %get3A_150 = vector.load %arg1[%get3A_147, %get3A_148, %get3A_149] : memref<32x512x128xf32, #tpu.memory_space<vmem>>, vector<1x512x128xf32>
    %get3A_151 = vector.shape_cast %get3A_150 : vector<1x512x128xf32> to vector<512x128xf32>
    %add3A_152 = arith.addf %add3A_146, %get3A_151 : vector<512x128xf32>
    %get3A_153 = arith.constant 26 : index
    %get3A_154 = arith.constant 0 : index
    %get3A_155 = arith.constant 0 : index
    %get3A_156 = vector.load %arg1[%get3A_153, %get3A_154, %get3A_155] : memref<32x512x128xf32, #tpu.memory_space<vmem>>, vector<1x512x128xf32>
    %get3A_157 = vector.shape_cast %get3A_156 : vector<1x512x128xf32> to vector<512x128xf32>
    %add3A_158 = arith.addf %add3A_152, %get3A_157 : vector<512x128xf32>
    %get3A_159 = arith.constant 27 : index
    %get3A_160 = arith.constant 0 : index
    %get3A_161 = arith.constant 0 : index
    %get3A_162 = vector.load %arg1[%get3A_159, %get3A_160, %get3A_161] : memref<32x512x128xf32, #tpu.memory_space<vmem>>, vector<1x512x128xf32>
    %get3A_163 = vector.shape_cast %get3A_162 : vector<1x512x128xf32> to vector<512x128xf32>
    %add3A_164 = arith.addf %add3A_158, %get3A_163 : vector<512x128xf32>
    %get3A_165 = arith.constant 28 : index
    %get3A_166 = arith.constant 0 : index
    %get3A_167 = arith.constant 0 : index
    %get3A_168 = vector.load %arg1[%get3A_165, %get3A_166, %get3A_167] : memref<32x512x128xf32, #tpu.memory_space<vmem>>, vector<1x512x128xf32>
    %get3A_169 = vector.shape_cast %get3A_168 : vector<1x512x128xf32> to vector<512x128xf32>
    %add3A_170 = arith.addf %add3A_164, %get3A_169 : vector<512x128xf32>
    %get3A_171 = arith.constant 29 : index
    %get3A_172 = arith.constant 0 : index
    %get3A_173 = arith.constant 0 : index
    %get3A_174 = vector.load %arg1[%get3A_171, %get3A_172, %get3A_173] : memref<32x512x128xf32, #tpu.memory_space<vmem>>, vector<1x512x128xf32>
    %get3A_175 = vector.shape_cast %get3A_174 : vector<1x512x128xf32> to vector<512x128xf32>
    %add3A_176 = arith.addf %add3A_170, %get3A_175 : vector<512x128xf32>
    %get3A_177 = arith.constant 30 : index
    %get3A_178 = arith.constant 0 : index
    %get3A_179 = arith.constant 0 : index
    %get3A_180 = vector.load %arg1[%get3A_177, %get3A_178, %get3A_179] : memref<32x512x128xf32, #tpu.memory_space<vmem>>, vector<1x512x128xf32>
    %get3A_181 = vector.shape_cast %get3A_180 : vector<1x512x128xf32> to vector<512x128xf32>
    %add3A_182 = arith.addf %add3A_176, %get3A_181 : vector<512x128xf32>
    %get3A_183 = arith.constant 31 : index
    %get3A_184 = arith.constant 0 : index
    %get3A_185 = arith.constant 0 : index
    %get3A_186 = vector.load %arg1[%get3A_183, %get3A_184, %get3A_185] : memref<32x512x128xf32, #tpu.memory_space<vmem>>, vector<1x512x128xf32>
    %get3A_187 = vector.shape_cast %get3A_186 : vector<1x512x128xf32> to vector<512x128xf32>
    %add3A_188 = arith.addf %add3A_182, %get3A_187 : vector<512x128xf32>
    %ge3A = arith.constant 0.000000e+00 : f32
    %ge3A_189 = vector.broadcast %ge3A : f32 to vector<512x128xf32>
    %ge3A_190 = arith.cmpf oge, %add3A_188, %ge3A_189 : vector<512x128xf32>
    %mul3A = arith.constant 0.00999999977 : f32
    %mul3A_191 = vector.broadcast %mul3A : f32 to vector<512x128xf32>
    %mul3A_192 = arith.mulf %mul3A_191, %add3A_188 : vector<512x128xf32>
    %select_n3A = arith.select %ge3A_190, %add3A_188, %mul3A_192 : vector<512x128xi1>, vector<512x128xf32>
    %get3A_193 = arith.constant 0 : index
    %get3A_194 = arith.constant 0 : index
    %get3A_195 = vector.load %arg3[%get3A_193, %get3A_194] : memref<256x128xf32, #tpu.memory_space<vmem>>, vector<128x128xf32>
    %dot_general3A = arith.constant dense<0.000000e+00> : vector<512x128xf32>
    %dot_general3A_196 = tpu.matmul %select_n3A, %get3A_195, %dot_general3A {dimension_numbers = #tpu.dot_dimension_numbers<[1], [0], [0], [1], [0, 0, 1, 1], [], []>, transpose_lhs_hint = false} : vector<512x128xf32>, vector<128x128xf32>, vector<512x128xf32> -> vector<512x128xf32>
    %get3A_197 = arith.constant 0 : index
    %get3A_198 = arith.constant 0 : index
    %get3A_199 = vector.load %arg2[%get3A_197, %get3A_198] : memref<512x128xf32, #tpu.memory_space<vmem>>, vector<512x128xf32>
    %get3A_200 = arith.constant 128 : index
    %get3A_201 = arith.constant 0 : index
    %get3A_202 = vector.load %arg3[%get3A_200, %get3A_201] : memref<256x128xf32, #tpu.memory_space<vmem>>, vector<128x128xf32>
    %dot_general3A_203 = arith.constant dense<0.000000e+00> : vector<512x128xf32>
    %dot_general3A_204 = tpu.matmul %get3A_199, %get3A_202, %dot_general3A_203 {dimension_numbers = #tpu.dot_dimension_numbers<[1], [0], [0], [1], [0, 0, 1, 1], [], []>, transpose_lhs_hint = false} : vector<512x128xf32>, vector<128x128xf32>, vector<512x128xf32> -> vector<512x128xf32>
    %add3A_205 = arith.addf %dot_general3A_196, %dot_general3A_204 : vector<512x128xf32>
    %get3A_206 = arith.constant 0 : index
    %get3A_207 = arith.constant 0 : index
    %get3A_208 = vector.load %arg4[%get3A_206, %get3A_207] : memref<1x128xf32, #tpu.memory_space<vmem>>, vector<1x128xf32>
    %add3A_209 = vector.broadcast %get3A_208 : vector<1x128xf32> to vector<512x128xf32>
    %add3A_210 = arith.addf %add3A_205, %add3A_209 : vector<512x128xf32>
    %ge3A_211 = arith.constant 0.000000e+00 : f32
    %ge3A_212 = vector.broadcast %ge3A_211 : f32 to vector<512x128xf32>
    %ge3A_213 = arith.cmpf oge, %add3A_210, %ge3A_212 : vector<512x128xf32>
    %mul3A_214 = arith.constant 0.00999999977 : f32
    %mul3A_215 = vector.broadcast %mul3A_214 : f32 to vector<512x128xf32>
    %mul3A_216 = arith.mulf %mul3A_215, %add3A_210 : vector<512x128xf32>
    %select_n3A_217 = arith.select %ge3A_213, %add3A_210, %mul3A_216 : vector<512x128xi1>, vector<512x128xf32>
    %get3A_218 = arith.constant 0 : index
    %get3A_219 = arith.constant 0 : index
    %get3A_220 = vector.load %arg5[%get3A_218, %get3A_219] : memref<128x128xf32, #tpu.memory_space<vmem>>, vector<128x128xf32>
    %dot_general3A_221 = arith.constant dense<0.000000e+00> : vector<512x128xf32>
    %dot_general3A_222 = tpu.matmul %select_n3A_217, %get3A_220, %dot_general3A_221 {dimension_numbers = #tpu.dot_dimension_numbers<[1], [0], [0], [1], [0, 0, 1, 1], [], []>, transpose_lhs_hint = false} : vector<512x128xf32>, vector<128x128xf32>, vector<512x128xf32> -> vector<512x128xf32>
    %get3A_223 = arith.constant 0 : index
    %get3A_224 = arith.constant 0 : index
    %get3A_225 = vector.load %arg6[%get3A_223, %get3A_224] : memref<1x128xf32, #tpu.memory_space<vmem>>, vector<1x128xf32>
    %add3A_226 = vector.broadcast %get3A_225 : vector<1x128xf32> to vector<512x128xf32>
    %add3A_227 = arith.addf %dot_general3A_222, %add3A_226 : vector<512x128xf32>
    %ge3A_228 = arith.constant 0.000000e+00 : f32
    %ge3A_229 = vector.broadcast %ge3A_228 : f32 to vector<512x128xf32>
    %ge3A_230 = arith.cmpf oge, %add3A_227, %ge3A_229 : vector<512x128xf32>
    %mul3A_231 = arith.constant 0.00999999977 : f32
    %mul3A_232 = vector.broadcast %mul3A_231 : f32 to vector<512x128xf32>
    %mul3A_233 = arith.mulf %mul3A_232, %add3A_227 : vector<512x128xf32>
    %select_n3A_234 = arith.select %ge3A_230, %add3A_227, %mul3A_233 : vector<512x128xi1>, vector<512x128xf32>
    %ge3A_235 = arith.constant 0.000000e+00 : f32
    %ge3A_236 = vector.broadcast %ge3A_235 : f32 to vector<512x128xf32>
    %ge3A_237 = arith.cmpf oge, %select_n3A_234, %ge3A_236 : vector<512x128xf32>
    %mul3A_238 = arith.constant 0.00999999977 : f32
    %mul3A_239 = vector.broadcast %mul3A_238 : f32 to vector<512x128xf32>
    %mul3A_240 = arith.mulf %mul3A_239, %select_n3A_234 : vector<512x128xf32>
    %select_n3A_241 = arith.select %ge3A_237, %select_n3A_234, %mul3A_240 : vector<512x128xi1>, vector<512x128xf32>
    %swap3A = arith.constant 0 : index
    %swap3A_242 = arith.constant 0 : index
    %swap3A_243 = vector.load %arg7[%swap3A, %swap3A_242] : memref<512x128xf32, #tpu.memory_space<vmem>>, vector<512x128xf32>
    tpu.vector_store %arg7[%swap3A, %swap3A_242], %select_n3A_241 {strides = array<i32>} : memref<512x128xf32, #tpu.memory_space<vmem>>, vector<512x128xf32>,
    return
  }
  func.func @transform_0(%arg0: i32) -> (i32, i32, i32) {
    %c0_i32 = arith.constant 0 : i32
    %c0_i32_0 = arith.constant 0 : i32
    %c0_i32_1 = arith.constant 0 : i32
    %c0_i32_2 = arith.constant 0 : i32
    return %c0_i32, %c0_i32_0, %c0_i32_1 : i32, i32, i32
  }
  func.func @transform_1(%arg0: i32) -> (i32, i32) {
    %c0_i32 = arith.constant 0 : i32
    %c0_i32_0 = arith.constant 0 : i32
    %c0_i32_1 = arith.constant 0 : i32
    return %c0_i32, %c0_i32_0 : i32, i32
  }
  func.func @transform_2(%arg0: i32) -> (i32, i32) {
    %c0_i32 = arith.constant 0 : i32
    %c0_i32_0 = arith.constant 0 : i32
    %c0_i32_1 = arith.constant 0 : i32
    return %c0_i32, %c0_i32_0 : i32, i32
  }
  func.func @transform_3(%arg0: i32) -> (i32, i32) {
    %c0_i32 = arith.constant 0 : i32
    %c0_i32_0 = arith.constant 0 : i32
    %c0_i32_1 = arith.constant 0 : i32
    return %c0_i32, %c0_i32_0 : i32, i32
  }
  func.func @transform_4(%arg0: i32) -> (i32, i32) {
    %c0_i32 = arith.constant 0 : i32
    %c0_i32_0 = arith.constant 0 : i32
    %c0_i32_1 = arith.constant 0 : i32
    return %c0_i32, %c0_i32_0 : i32, i32
  }
  func.func @transform_5(%arg0: i32) -> (i32, i32) {
    %c0_i32 = arith.constant 0 : i32
    %c0_i32_0 = arith.constant 0 : i32
    %c0_i32_1 = arith.constant 0 : i32
    return %c0_i32, %c0_i32_0 : i32, i32
  }
  func.func @transform_6(%arg0: i32) -> (i32, i32) {
    %c0_i32 = arith.constant 0 : i32
    %c0_i32_0 = arith.constant 0 : i32
    %c0_i32_1 = arith.constant 0 : i32
    return %c0_i32, %c0_i32_0 : i32, i32
  }
}

</mosaic_0001>

<sc_bundles>
// kernel: kernel.6.cloned.1.call-start
scs
__scs_entry_jumppad:
0x0: {  	(pc) =	sbr.rel $0x88, $3  }
0x1: {  	(tag) =	ssettag $0x0;
	lr =	simm.s32 $0x1  }
0x2: {  	[smem:$0x3F96] =	sst lr;
	_ =	strace $0xD0000000  }
0x3: {  	_ = 	snop  }
0x4: {  	_ = 	snop  }
0x5: {  	_ = 	snop  }
0x6: {  	_ = 	snop  }
0x7: {  	_ = 	snop  }
__scs_overlays_trampoline_lowered:
0x8: {  	[smem:$0x3FA5] =	sst s0  }
0x9: {  	[smem:$0x3FA6] =	sst s1  }
0xa: {  	[smem:$0x3FA7] =	sst s2  }
0xb: {  	[smem:$0x3FA8] =	sst s3  }
0xc: {  	[smem:$0x3FA9] =	sst s4  }
0xd: {  	[smem:$0x3FAA] =	sst s5  }
0xe: {  	[smem:$0x3FAB] =	sst s6  }
0xf: {  	[smem:$0x3FAC] =	sst s7  }
0x10: {  	[smem:$0x3FAD] =	sst s8  }
0x11: {  	[smem:$0x3FAE] =	sst s9;
	s0 =	simm.s32 @!p0 $0x0  }
0x12: {  	s1 =	sld [smem:$0x3F94];
	s0 =	simm.s32 @p0 $0x1  }
0x13: {  	[smem:$0x3FAF] =	sst s0;
	s0 =	simm.s32 @!p1 $0x0  }
0x14: {  	s2 =	sld [smem:$0x3F93];
	s0 =	simm.s32 @p1 $0x1  }
0x15: {  	[smem:$0x3FB0] =	sst s0;
	s0 =	simm.s32 @!p2 $0x0  }
0x16: {  	s3 =	sld [smem:$0x3FDB];
	s0 =	simm.s32 @p2 $0x1  }
0x17: {  	s4 =	simm.s32 $0x1BF5;
	[smem:$0x3FB2] =	sst s0  }
0x18: {  	s0 =	sld [smem:$0x3F95];
	_ =	swait.ge [sflag:s4], $0x0  }
0x19: {  	s7 =	sld [smem:$0x3F96]  }
0x1a: {  	s8 =	sadd.s32 $0xFFFFE003, lr  }
0x1b: {  	s9 =	sadd.s32 $0xFFFFFEF7, lr;
	s5 =	simm.s32 $0xFFFFFFFF;
	p2 =	slt.u32 s8, $0xFFFFF086  }
0x1c: {  	p1 =	slt.u32 s9, $0xF7A;
	s5 =	simm.s32 @!p2 $0x0  }
0x1d: {  	s5 =	simm.s32 @p1 $0x1;
	p0 =	seq.s32 s7, s2  }
0x1e: {  	s7 =	smul.u32 @!p0 $0xF7A, s2;
	p2 =	seq.s32 @!p0 s5, $0x0  }
0x1f: {  	s9 =	smul.u32 $0xF7A, s1;
	s8 =	simm.s32 @!p0 $0x1BF5;
	p2 =	por !p2, p0  }
0x20: {  	[sflag:s8] =	ssyncset.s32 @!p0 $0xFFFFF086;
	s6 =	sadd.s32 @!p0 s3, s7;
	s7 =	simm.s32 @!p0 $0x108  }
0x21: {  	s3 =	sadd.s32 s3, s9;
	s6 =	sadd.s32 @!p0 $0x88, s6;
	s7 =	simm.s32 @p2 $0x1082  }
0x22: {  	[simem:s7], [sflag:s8] =	dma.local @!p0 [hbm:s6], $0xF7A  }
0x23: {  	s9 =	sor.u32 $0xD0000000, s2;
	s6 =	simm.s32 $0x108;
	_ =	swait.ge @!p0 [sflag:s8], $0x0  }
0x24: {  	s3 =	sadd.s32 $0x88, s3;
	s6 =	simm.s32 @!p1 $0x1082;
	[sflag:s4] =	ssyncset.s32 $0xFFFFF086  }
0x25: {  	[simem:s6], [sflag:s4] =	dma.local [hbm:s3], $0xF7A  }
0x26: {  	[smem:$0x3F96] =	sst s1;
	(tag) =	ssettag s2;
	_ =	strace s9  }
0x27: {  	s1 =	sld [smem:$0x3FA6]  }
0x28: {  	s2 =	sld [smem:$0x3FA7]  }
0x29: {  	s4 =	sld [smem:$0x3FA9]  }
0x2a: {  	p0 =	seq.s32 s5, $0x0;
	s5 =	sld [smem:$0x3FAA]  }
0x2b: {  	s6 =	sld [smem:$0x3FAB]  }
0x2c: {  	s7 =	sld [smem:$0x3FAC]  }
0x2d: {  	s3 =	simm.s32 $0x108;
	s8 =	sld [smem:$0x3FAD]  }
0x2e: {  	s3 =	simm.s32 @!p0 $0x1082;
	s9 =	sld [smem:$0x3FAE]  }
0x2f: {  	lr =	sadd.s32 s0, s3;
	s0 =	sld [smem:$0x3FA5]  }
0x30: {  	s3 =	sld [smem:$0x3FA8]  }
0x31: {  	[smem:$0x3FB1] =	sst s10  }
0x32: {  	s10 =	sld [smem:$0x3FAF];
	_ =	sdelay $0x3  }
0x33: {  	p0 =	seq.s32 s10, $0x1;
	s10 =	sld [smem:$0x3FB1];
	_ =	sdelay $0x3  }
0x34: {  	[smem:$0x3FB1] =	sst s10  }
0x35: {  	s10 =	sld [smem:$0x3FB0];
	_ =	sdelay $0x3  }
0x36: {  	p1 =	seq.s32 s10, $0x1;
	s10 =	sld [smem:$0x3FB1];
	_ =	sdelay $0x3  }
0x37: {  	[smem:$0x3FB1] =	sst s10  }
0x38: {  	s10 =	sld [smem:$0x3FB2]  }
0x39: {  	_ = 	snop;
	(pc) =	sbr.ind lr, $3  }
0x3a: {  	_ = 	snop  }
0x3b: {  	_ = 	snop  }
0x3c: {  	p2 =	seq.s32 s10, $0x1;
	s10 =	sld [smem:$0x3FB1]  }
0x3d: {  	_ =	shalt  }
0x3e: {  	_ =	shalt  }
0x3f: {  	_ =	shalt  }
0x40: {  	_ =	shalt  }
0x41: {  	_ =	shalt  }
0x42: {  	_ =	shalt  }
0x43: {  	_ =	shalt  }
0x44: {  	_ =	shalt  }
0x45: {  	_ =	shalt  }
0x46: {  	_ =	shalt  }
0x47: {  	_ =	shalt  }
0x48: {  	_ =	shalt  }
0x49: {  	_ =	shalt  }
0x4a: {  	_ =	shalt  }
0x4b: {  	_ =	shalt  }
0x4c: {  	_ =	shalt  }
0x4d: {  	_ =	shalt  }
0x4e: {  	_ =	shalt  }
0x4f: {  	_ =	shalt  }
0x50: {  	_ =	shalt  }
0x51: {  	_ =	shalt  }
0x52: {  	_ =	shalt  }
0x53: {  	_ =	shalt  }
0x54: {  	_ =	shalt  }
0x55: {  	_ =	shalt  }
0x56: {  	_ =	shalt  }
0x57: {  	_ =	shalt  }
0x58: {  	_ =	shalt  }
0x59: {  	_ =	shalt  }
0x5a: {  	_ =	shalt  }
0x5b: {  	_ =	shalt  }
0x5c: {  	_ =	shalt  }
0x5d: {  	_ =	shalt  }
0x5e: {  	_ =	shalt  }
0x5f: {  	_ =	shalt  }
0x60: {  	_ =	shalt  }
0x61: {  	_ =	shalt  }
0x62: {  	_ =	shalt  }
0x63: {  	_ =	shalt  }
0x64: {  	_ =	shalt  }
0x65: {  	_ =	shalt  }
0x66: {  	_ =	shalt  }
0x67: {  	_ =	shalt  }
0x68: {  	_ =	shalt  }
0x69: {  	_ =	shalt  }
0x6a: {  	_ =	shalt  }
0x6b: {  	_ =	shalt  }
0x6c: {  	_ =	shalt  }
0x6d: {  	_ =	shalt  }
0x6e: {  	_ =	shalt  }
0x6f: {  	_ =	shalt  }
0x70: {  	_ =	shalt  }
0x71: {  	_ =	shalt  }
0x72: {  	_ =	shalt  }
0x73: {  	_ =	shalt  }
0x74: {  	_ =	shalt  }
0x75: {  	_ =	shalt  }
0x76: {  	_ =	shalt  }
0x77: {  	_ =	shalt  }
0x78: {  	_ =	shalt  }
0x79: {  	_ =	shalt  }
0x7a: {  	_ =	shalt  }
0x7b: {  	_ =	shalt  }
0x7c: {  	_ =	shalt  }
0x7d: {  	_ =	shalt  }
0x7e: {  	_ =	shalt  }
0x7f: {  	_ =	shalt  }
0x80: {  	_ =	shalt  }
0x81: {  	_ =	shalt  }
0x82: {  	_ =	shalt  }
0x83: {  	_ =	shalt  }
0x84: {  	_ =	shalt  }
0x85: {  	_ =	shalt  }
0x86: {  	_ =	shalt  }
0x87: {  	_ =	shalt  }
.Lfunc_end0:
.L_simem_size_0:
called_computation_lowered:
.L_overlay_start_0:
0x88: {  	s2 =	sld [smem:$0x3FD9]  }
0x89: {  	s3 =	sld [smem:$0x3FFE];
	_ =	sdelay $0x1  }
0x8a: {  	s1 =	srdreg.scid  }
0x8b: {  	s0 =	sand.u32 $0x1, s1  }
0x8c: {  	s14 =	sshll.u32 s0, $0xA;
	s2 =	sadd.s32 s3, s2  }
0x8d: {  	s2 =	sadd.s32 s2, s14  }
0x8e: {  	[smem:$0x3FBD] =	sst s2  }
0x8f: {  	_ = 	snop  }
0x90: {  	s2 =	sld [smem:$0x3FD0];
	_ =	sdelay $0x2  }
0x91: {  	s4 =	simm.s32 $0xA;
	s5 =	simm.s32 $0x10;
	s15 =	sld [smem:$0x3FC7]  }
0x92: {  	[smem:s5], [sflag:s4] =	dma.local [hbm:s2], $0x1  }
0x93: {  	_ =	swait.eq [sflag:s4], $0x1  }
0x94: {  	[sflag:s4] =	ssyncset.done $0x0  }
0x95: {  	s16 =	sld [smem:$0x10];
	[sflag:s4] =	ssyncadd.s32 $0xFFFFFFFF  }
0x96: {  	s17 =	sld [smem:$0x11];
	(tm) =	ssettm $0x1  }
0x97: {  	s18 =	sld [smem:$0x3FFB];
	_ =	sdelay $0x3  }
0x98: {  	_ =	strace s18  }
0x99: {  	s5 =	sld [smem:$0x3FFC];
	_ =	sdelay $0x3  }
0x9a: {  	_ =	strace s5  }
0x9b: {  	s5 =	sld [smem:$0x3FFD];
	_ =	sdelay $0x3  }
0x9c: {  	_ =	strace s5  }
0x9d: {  	_ =	strace $0x8FFFFFFF  }
0x9e: {  	s19 =	sld [smem:$0x3FDB];
	_ =	sdelay $0x1  }
0x9f: {  	s6 =	simm.s32 $_scs_section_size  }
0xa0: {  	s7 =	simm.s32 $_size__tile_overlayer_lowered;
	s8 =	simm.s32 $_tile_overlayer_lowered  }
0xa1: {  	s22 =	simm.s32 $0x1BFF;
	s21 =	sshll.u32 s8, $0x1;
	s5 =	sadd.s32 s6, s19  }
0xa2: {  	s9 =	simm.s32 $0x0;
	s20 =	sshll.u32 s7, $0x1;
	s7 =	sadd.s32 s21, s5  }
0xa3: {  	[timem:s9], [sflag:s22] =	dma.local [hbm:s7], s20  }
0xa4: {  	_ =	swait.ge [sflag:s22], s20  }
0xa5: {  	s6 =	ssub.s32 $0x0, s20;
	[sflag:s22] =	ssyncset.done $0x0  }
0xa6: {  	[sflag:s22] =	ssyncadd.s32 s6;
	_ =	sdelay $0x1  }
0xa7: {  	s23 =	simm.s32 $0x1B8B  }
0xa8: {  	_ =	swait.ge [sflag:s23], $0x1  }
0xa9: {  	[sflag:s23] =	ssyncset.done $0x0  }
0xaa: {  	s25 =	simm.s32 $0x1B8E;
	s24 =	sld [smem:$0x3FFE];
	[sflag:s23] =	ssyncadd.s32 $0xFFFFFFFF  }
0xab: {  	s26 =	simm.s32 $execute0_lowered;
	[smem:$0x3FD2] =	sst s25  }
0xac: {  	s7 =	sshll.u32 s26, $0x1;
	_ =	strace $0x80000046;
	[dreg:$0x1] =	wrdreg $0xFFFFFFFF  }
0xad: {  	s28 =	simm.s32 $_size_execute0_lowered;
	s5 =	sadd.s32 s5, s7;
	[dreg:$0x0] =	wrdreg $0x0  }
0xae: {  	s7 =	sshll.u32 s28, $0x1;
	[dreg:$0x2] =	wrdreg s5  }
0xaf: {  	[dreg:$0x3] =	wrdreg s7  }
0xb0: {  	[dreg:$0x4] =	wrdreg $0xC0  }
0xb1: {  	_ =	task [dreg:s9], $0x5FFFF  }
0xb2: {  	[dreg:$0x1] =	wrdreg $0xFFFFFFFF  }
0xb3: {  	[dreg:$0x0] =	wrdreg $0x60  }
0xb4: {  	[dreg:$0x2] =	wrdreg s24  }
0xb5: {  	[dreg:$0x3] =	wrdreg s15  }
0xb6: {  	[dreg:$0x4] =	wrdreg s17  }
0xb7: {  	[dreg:$0x5] =	wrdreg s16  }
0xb8: {  	[dreg:$0x6] =	wrdreg $0xB9800  }
0xb9: {  	[dreg:$0x7] =	wrdreg $0x9  }
0xba: {  	_ =	task.clear_ibuf [dreg:s9], $0x8FFFF;
	_ =	strace $0x90000046  }
0xbb: {  	s29 =	simm.s32 $0x9;
	_ =	strace $0x80000048  }
0xbc: {  	_ =	swait.ge [sflag:s29], $0x1  }
0xbd: {  	[sflag:s29] =	ssyncadd.s32 $0xFFFFFFFF  }
0xbe: {  	_ =	strace $0x90000048  }
0xbf: {  	_ =	sfence  }
0xc0: {  	s30 =	sld [smem:$0x0];
	_ =	sdelay $0x2  }
0xc1: {  	s31 =	sshll.u32 s1, $0xD;
	s1 =	sshrl.u32 s1, $0x2  }
0xc2: {  	s3 =	sand.u32 $0x4000, s31;
	s1 =	sadd.s32 s1, s30  }
0xc3: {  	s0 =	sor.u32 s3, s0;
	s1 =	sshll.u32 s1, $0x11  }
0xc4: {  	s0 =	sor.u32 s1, s0  }
0xc5: {  	s0 =	sadd.s32 $0x8F2B, s0  }
0xc6: {  	[sflag:s0] =	ssyncadd.remote.s32 $0x1  }
0xc7: {  	_ =	sfence.sel $0xFFFF  }
0xc8: {  	[dreg:$0x0] =	wrdreg $0xFFFFFFFF;
	(pc) =	sbr.abs _section_cstart, $3  }
0xc9: {  	[dreg:$0x1] =	wrdreg $0xFFFFFFFF  }
0xca: {  	_ =	task.clear_ibuf [dreg:s9], $0x2FFFF;
	_ =	strace $0x9FFFFFFF  }
0xcb: {  	(tm) =	ssettm $0x7FFFFFFF  }
tec
execute0_lowered:
.L_overlay_start_1:
0x0: {  	(tag) =	ssettag $0x1  }
0x1: {  	s5 =	rddreg [dreg:$0x0]  }
0x2: {  	s6 =	rddreg [dreg:$0x1]  }
0x3: {  	s0 =	rddreg [dreg:$0x2]  }
0x4: {  	s10 =	rddreg [dreg:$0x3]  }
0x5: {  	s1 =	srdreg.scid;
	s21 =	stileid.u32  }
0x6: {  	s2 =	rddreg [dreg:$0x4];
	s3 =	simm.s32 $0x0;
	s14 =	simm.s32 $0x2A00  }
0x7: {  	s15 =	simm.s32 $0x280;
	s16 =	simm.s32 $0x7900;
	s17 =	simm.s32 $0x5180  }
0x8: {  	s18 =	simm.s32 $0xB900;
	s19 =	simm.s32 $0x50;
	s20 =	simm.s32 $0x1  }
0x9: {  	s8 =	sand.u32 $0x1, s1;
	s4 =	sshll.u32 s21, $0x1;
	s1 =	rddreg [dreg:$0x5]  }
0xa: {  	[smem:$0x7FF] =	sst s3;
	s31 =	sshll.u32 s21, $0x5;
	p0 =	sne.s32 s21, $0x0  }
0xb: {  	s21 =	simm.s32 $0x0;
	s4 =	sor.u32 s8, s4;
	_ =	strace $0x80000047  }
0xc: {  	s11 =	ssub.s32 $0x2, s8;
	s13 =	sshll.u32 s8, $0x4;
	s7 =	sshll.u32 s4, $0xB  }
0xd: {  	s9 =	smul.u32 $0x4E2, s4;
	s4 =	sadd.s32 $0x4FDE00, s5;
	s30 =	sshrl.u32 s11, $0x1  }
0xe: {  	s10 =	sadd.s32 s10, s13;
	s13 =	simm.s32 $0x2;
	s7 =	sadd.s32 s7, s5  }
0xf: {  	s11 =	ssub.s32 s11, s30;
	s12 =	sadd.s32 s9, s5;
	s6 =	sadd.s32 s6, s9  }
0x10: {  	s7 =	sadd.s32 $0x2000, s7;
	s9 =	sadd.s32 s31, s2;
	s11 =	smax.u32 s11, $0x1  }
0x11: {  	v0 =	vimm.f32 $0.0e+00;
	s5 =	sadd.s32 $0x4F4000, s12;
	s8 =	sadd.s32 $0x4FE000, s12;
	s12 =	simm.s32 $0x80  }
.LBB2_1:
0x12: {  	[tilespmem:s12], [sflag:$0x2] =	stream.linear.gather [hbm4b:s0+s3], $0x200, $0x38;
	[tilespmem:$0xB9A0] =	vst v63  }
0x13: {  	_ =	swait.ge [sflag:s13], $0x200  }
0x14: {  	[sflag:s13] =	ssyncset.done $0x0  }
0x15: {  	[sflag:s13] =	ssyncadd.s32 $0xFFFFFE00  }
0x16: {  	[tilespmem:s3], [sflag:$0x2] =	stream.linear.gather [hbm4b:s4+s3], $0x80, $0x38;
	[tilespmem:$0xB9A0] =	vst v63  }
0x17: {  	_ =	swait.ge [sflag:s13], $0x80  }
0x18: {  	[sflag:s13] =	ssyncset.done $0x0  }
0x19: {  	[sflag:s13] =	ssyncadd.s32 $0xFFFFFF80  }
0x1a: {  	[tilespmem:s14], [sflag:$0x2] =	stream.linear.gather [hbm4b:s5+s3], $0x2710, $0x38;
	[tilespmem:$0xB9A0] =	vst v63  }
0x1b: {  	_ =	swait.ge [sflag:s13], $0x2710  }
0x1c: {  	[sflag:s13] =	ssyncset.done $0x0  }
0x1d: {  	[sflag:s13] =	ssyncadd.s32 $0xFFFFD8F0  }
0x1e: {  	[tilespmem:s15], [sflag:$0x2] =	stream.linear.gather [hbm4b:s6+s3], $0x2710, $0x38;
	[tilespmem:$0xB9A0] =	vst v63  }
0x1f: {  	_ =	swait.ge [sflag:s13], $0x2710  }
0x20: {  	[sflag:s13] =	ssyncset.done $0x0  }
0x21: {  	[sflag:s13] =	ssyncadd.s32 $0xFFFFD8F0  }
0x22: {  	[tilespmem:s16], [sflag:$0x2] =	stream.linear.gather [hbm4b:s7+s3], $0x3E80, $0x38;
	[tilespmem:$0xB9A0] =	vst v63  }
0x23: {  	_ =	swait.ge [sflag:s13], $0x3E80  }
0x24: {  	[sflag:s13] =	ssyncset.done $0x0  }
0x25: {  	s22 =	simm.s32 $0x2A0;
	[sflag:s13] =	ssyncadd.s32 $0xFFFFC180  }
0x26: {  	v2 =	vld [tilespmem:s22+$0x10]  }
0x27: {  	v3 =	vld [tilespmem:s22+$0xFFFFFFF0]  }
0x28: {  	v4 =	vld [tilespmem:s22+$0xFFFFFFE0]  }
0x29: {  	v1 =	vld [tilespmem:$0x0]  }
0x2a: {  	s29 =	simm.s32 $0x2A20;
	v5 =	vld [tilespmem:s22+$0x0]  }
0x2b: {  	s23 =	simm.s32 $0x2E0;
	v6 =	vld [tilespmem:s29+$0x10]  }
0x2c: {  	v7 =	vld [tilespmem:s23+$0x10]  }
0x2d: {  	v8 =	vld [tilespmem:s23+$0xFFFFFFF0]  }
0x2e: {  	v9 =	vld [tilespmem:s23+$0x0]  }
0x2f: {  	v2 =	vld.idx.msk [tilespmem:v2+s12+$0x0], $0xffff  }
0x30: {  	v11 =	vld [tilespmem:s29+$0xFFFFFFF0]  }
0x31: {  	s30 =	simm.s32 $0x2A60;
	v12 =	vld [tilespmem:s29+$0x0]  }
0x32: {  	v14 =	vld [tilespmem:s30+$0x10]  }
0x33: {  	v3 =	vld.idx.msk [tilespmem:v3+s12+$0x0], $0xffff  }
0x34: {  	v4 =	vld.idx.msk [tilespmem:v4+s12+$0x0], $0xffff;
	v2 =	vadd.f32 v6, v2  }
0x35: {  	v5 =	vld.idx.msk [tilespmem:v5+s12+$0x0], $0xffff  }
0x36: {  	v6 =	vld [tilespmem:s29+$0xFFFFFFE0];
	v2 =	vadd.f32 v2, v1  }
0x37: {  	v7 =	vld.idx.msk [tilespmem:v7+s12+$0x0], $0xffff  }
0x38: {  	v10 =	vld [tilespmem:s23+$0xFFFFFFE0];
	v13 =	vmul.f32 $9.999999770e-03, v2  }
0x39: {  	s31 =	simm.s32 $0x320;
	v59 =	vld.idx.msk [tilespmem:v8+s12+$0x0], $0xffff;
	vm0 =	vge.f32 v2, $0.0e+00  }
0x3a: {  	v8 =	vld [tilespmem:s31+$0x10];
	v2 =	vsel vm0, v2, v13  }
0x3b: {  	v5 =	vadd.f32 v12, v5;
	v4 =	vadd.f32 v6, v4;
	v2 =	vmul.f32 $1.442695020e+00, v2  }
0x3c: {  	v61 =	vld [tilespmem:s31+$0xFFFFFFE0];
	v3 =	vadd.f32 v11, v3;
	v7 =	vadd.f32 v14, v7  }
0x3d: {  	v16 =	vld [tilespmem:s30+$0xFFFFFFE0];
	v5 =	vadd.f32 v5, v1;
	(erf) = vpow2.f32 v2;
	v2 =	vadd.f32 v4, v1  }
0x3e: {  	v11 =	vld [tilespmem:s31+$0xFFFFFFF0];
	v6 =	vadd.f32 v3, v1  }
0x3f: {  	vm2 =	vge.f32 v5, $0.0e+00;
	v3 =	vld.idx.msk [tilespmem:v9+s12+$0x0], $0xffff;
	v9 =	vadd.f32 v7, v1;
	v60 =	vmul.f32 $9.999999770e-03, v2  }
0x40: {  	v63 =	vld [tilespmem:s30+$0xFFFFFFF0];
	v7 =	vmul.f32 $9.999999770e-03, v5;
	v15 =	vmul.f32 $9.999999770e-03, v6;
	vm14 =	vge.f32 v2, $0.0e+00  }
0x41: {  	v10 =	vld.idx.msk [tilespmem:v10+s12+$0x0], $0xffff;
	vm1 =	vge.f32 v6, $0.0e+00;
	v17 =	vmul.f32 $9.999999770e-03, v9;
	v2 =	vsel vm14, v2, v60  }
0x42: {  	v5 =	vsel vm2, v5, v7;
	v7 =	vld.idx.msk [tilespmem:v8+s12+$0x0], $0xffff;
	v62 =	vsel vm1, v6, v15;
	v2 =	vmul.f32 $1.442695020e+00, v2  }
0x43: {  	vm15 =	vge.f32 v9, $0.0e+00;
	v6 =	vld [tilespmem:s30+$0x0];
	v12 =	vmul.f32 $1.442695020e+00, v62  }
0x44: {  	s23 =	simm.s32 $0x2AA0;
	v18 =	vmul.f32 $1.442695020e+00, v5;
	v4 =	vld [tilespmem:s31+$0x0];
	v5 =	vsel vm15, v9, v17;
	(erf) = vpow2.f32 v2  }
0x45: {  	v8 =	vld [tilespmem:s23+$0x10];
	v17 =	vmul.f32 $1.442695020e+00, v5;
	(erf) = vpow2.f32 v12  }
0x46: {  	s22 =	simm.s32 $0x51A0;
	v9 =	vadd.f32 v16, v10;
	v5 =	vld.idx.msk [tilespmem:v11+s12+$0x0], $0xffff;
	v2 =	vpop (erf);
	(erf) = vpow2.f32 v18  }
0x47: {  	s24 =	simm.s32 $0x8;
	s25 =	simm.s32 $0x360;
	v10 =	vadd.f32 v63, v59;
	[tilespmem:s22+$0x10] =	vst v2;
	v2 =	vld.idx.msk [tilespmem:v61+s12+$0x0], $0xffff;
	(erf) = vpow2.f32 v17  }
.LBB2_2:
0x48: {  	v11 =	vld [tilespmem:s25+$0x10];
	s24 =	sadd.s32 $0x4, s24;
	v9 =	vadd.f32 v9, v1;
	v3 =	vadd.f32 v6, v3  }
0x49: {  	v12 =	vld [tilespmem:s25+$0xFFFFFFF0];
	p1 =	slt.u32 s24, $0x26C;
	v6 =	vadd.f32 v10, v1  }
0x4a: {  	v10 =	vld [tilespmem:s25+$0x0];
	v7 =	vadd.f32 v8, v7;
	v8 =	vmul.f32 $9.999999770e-03, v9;
	v13 =	vadd.f32 v3, v1  }
0x4b: {  	vm0 =	vge.f32 v9, $0.0e+00;
	v14 =	vld [tilespmem:s25+$0xFFFFFFE0];
	vm1 =	vge.f32 v6, $0.0e+00;
	v15 =	vmul.f32 $9.999999770e-03, v6  }
0x4c: {  	v16 =	vmovc v5;
	v3 =	vld.idx.msk [tilespmem:v4+s12+$0x0], $0xffff;
	v4 =	vadd.f32 v7, v1;
	vm2 =	vge.f32 v13, $0.0e+00;
	v7 =	vmul.f32 $9.999999770e-03, v13  }
0x4d: {  	v5 =	vsel vm0, v9, v8;
	v17 =	vld [tilespmem:s23+$0xFFFFFFE0];
	v20 =	vsel vm1, v6, v15;
	v6 =	vpop (erf)  }
0x4e: {  	v21 =	vmul.f32 $1.442695020e+00, v5;
	v15 =	vld [tilespmem:s23+$0xFFFFFFF0];
	v9 =	vmul.f32 $9.999999770e-03, v4;
	v7 =	vsel vm2, v13, v7;
	[tilespmem:s22+$0xFFFFFFE0] =	vst v6;
	v13 =	vpop (erf)  }
.Ltmp0:
0x4f: {  	vm0 =	vge.f32 v4, $0.0e+00;
	v18 =	vmul.f32 $1.442695020e+00, v20;
	v6 =	vld [tilespmem:s23+$0x0];
	v19 =	vmul.f32 $1.442695020e+00, v7;
	[tilespmem:s22+$0xFFFFFFF0] =	vst v13;
	v8 =	vpop (erf);
	(pc) =	sbr.rel @p1 .LBB2_2-.Ltmp0, $4  }
0x50: {  	s23 =	sadd.s32 $0x40, s23;
	v7 =	vld.idx.msk [tilespmem:v11+s12+$0x0], $0xffff;
	v9 =	vsel vm0, v4, v9;
	(erf) = vpow2.f32 v21;
	v5 =	vpop (erf);
	[tilespmem:s22+$0x0] =	vst v8;
	s22 =	sadd.s32 $0x40, s22;
	v4 =	vmov v10  }
0x51: {  	v8 =	vld [tilespmem:s23+$0x10];
	v11 =	vmul.f32 $1.442695020e+00, v9;
	[tilespmem:s22+$0x10] =	vst v5;
	(erf) = vpow2.f32 v18  }
0x52: {  	v5 =	vld.idx.msk [tilespmem:v12+s12+$0x0], $0xffff;
	v9 =	vadd.f32 v17, v2;
	(erf) = vpow2.f32 v19  }
0x53: {  	s25 =	sadd.s32 $0x40, s25;
	v2 =	vld.idx.msk [tilespmem:v14+s12+$0x0], $0xffff;
	v10 =	vadd.f32 v15, v16;
	(erf) = vpow2.f32 v11  }
0x54: {  	_ =	sdelay $0x3  }
0x55: {  	v4 =	vld.idx.msk [tilespmem:v4+s12+$0x0], $0xffff  }
0x56: {  	v9 =	vadd.f32 v9, v1;
	v58 =	vld [tilespmem:s23+$0xFFFFFFE0]  }
0x57: {  	v3 =	vadd.f32 v6, v3;
	v11 =	vld [tilespmem:s23+$0xFFFFFFF0];
	v57 =	vadd.f32 v10, v1  }
0x58: {  	v13 =	vld [tilespmem:s23+$0x0];
	v7 =	vadd.f32 v8, v7;
	v59 =	vmul.f32 $9.999999770e-03, v9  }
0x59: {  	v3 =	vadd.f32 v3, v1;
	vm0 =	vge.f32 v9, $0.0e+00;
	v12 =	vmul.f32 $9.999999770e-03, v57  }
0x5a: {  	vm1 =	vge.f32 v57, $0.0e+00;
	v7 =	vadd.f32 v7, v1;
	v9 =	vsel vm0, v9, v59  }
0x5b: {  	vm10 =	vge.f32 v3, $0.0e+00;
	v60 =	vmul.f32 $9.999999770e-03, v3;
	v6 =	vsel vm1, v57, v12  }
0x5c: {  	v9 =	vmul.f32 $1.442695020e+00, v9;
	v2 =	vadd.f32 v58, v2;
	v5 =	vadd.f32 v11, v5  }
0x5d: {  	v4 =	vadd.f32 v13, v4;
	v61 =	vmul.f32 $9.999999770e-03, v7;
	v3 =	vsel vm10, v3, v60  }
0x5e: {  	vm11 =	vge.f32 v7, $0.0e+00;
	v6 =	vmul.f32 $1.442695020e+00, v6;
	v2 =	vadd.f32 v2, v1  }
0x5f: {  	v3 =	vmul.f32 $1.442695020e+00, v3;
	(erf) = vpow2.f32 v9;
	v5 =	vadd.f32 v5, v1  }
0x60: {  	v4 =	vadd.f32 v4, v1;
	v7 =	vsel vm11, v7, v61;
	v62 =	vmul.f32 $9.999999770e-03, v2  }
0x61: {  	(erf) = vpow2.f32 v6;
	v7 =	vmul.f32 $1.442695020e+00, v7;
	vm12 =	vge.f32 v2, $0.0e+00  }
0x62: {  	(erf) = vpow2.f32 v3;
	v3 =	vmul.f32 $9.999999770e-03, v5;
	v2 =	vsel vm12, v2, v62  }
0x63: {  	vm13 =	vge.f32 v5, $0.0e+00;
	v63 =	vmul.f32 $9.999999770e-03, v4;
	v2 =	vmul.f32 $1.442695020e+00, v2  }
0x64: {  	vm14 =	vge.f32 v4, $0.0e+00;
	v3 =	vsel vm13, v5, v3  }
0x65: {  	(erf) = vpow2.f32 v7;
	v4 =	vsel vm14, v4, v63;
	v3 =	vmul.f32 $1.442695020e+00, v3  }
0x66: {  	v4 =	vmul.f32 $1.442695020e+00, v4;
	(erf) = vpow2.f32 v2  }
0x67: {  	v2 =	vpop (erf);
	(erf) = vpow2.f32 v3  }
0x68: {  	[tilespmem:s22+$0xFFFFFFE0] =	vst v2;
	v2 =	vpop (erf);
	(erf) = vpow2.f32 v4  }
0x69: {  	v3 =	vpop (erf);
	[tilespmem:s22+$0xFFFFFFF0] =	vst v2  }
0x6a: {  	s31 =	sadd.s32 $0x40, s22;
	v2 =	vpop (erf);
	[tilespmem:s22+$0x0] =	vst v3  }
0x6b: {  	v3 =	vpop (erf);
	[tilespmem:s31+$0x10] =	vst v2  }
0x6c: {  	v2 =	vpop (erf);
	[tilespmem:s31+$0xFFFFFFE0] =	vst v3  }
0x6d: {  	v3 =	vpop (erf);
	[tilespmem:s31+$0xFFFFFFF0] =	vst v2  }
0x6e: {  	s22 =	sadd.s32 $0x40, s31;
	v2 =	vpop (erf);
	[tilespmem:s31+$0x0] =	vst v3  }
0x6f: {  	[tilespmem:s22+$0x10] =	vst v2;
	v2 =	vpop (erf)  }
0x70: {  	[tilespmem:s22+$0xFFFFFFE0] =	vst v2;
	v2 =	vpop (erf)  }
0x71: {  	[tilespmem:s22+$0xFFFFFFF0] =	vst v2;
	v2 =	vpop (erf)  }
0x72: {  	[tilespmem:s22+$0x0] =	vst v2  }
0x73: {  	v2 =	vld [tilespmem:$0x2980];
	_ =	sdelay $0x6  }
0x74: {  	v3 =	vld [tilespmem:$0x5100]  }
0x75: {  	v2 =	vld.idx.msk [tilespmem:v2+s12+$0x0], $0xffff;
	_ =	sdelay $0x4  }
0x76: {  	v2 =	vadd.f32 v3, v2;
	_ =	sdelay $0x1  }
0x77: {  	v1 =	vadd.f32 v2, v1;
	_ =	sdelay $0x1  }
0x78: {  	v2 =	vmul.f32 $9.999999770e-03, v1  }
0x79: {  	vm15 =	vge.f32 v1, $0.0e+00  }
0x7a: {  	v1 =	vsel vm15, v1, v2  }
0x7b: {  	v1 =	vmul.f32 $1.442695020e+00, v1;
	_ =	sdelay $0x1  }
0x7c: {  	(erf) = vpow2.f32 v1;
	_ =	sdelay $0x8  }
0x7d: {  	v1 =	vpop (erf)  }
0x7e: {  	s22 =	simm.s32 $0x0;
	[tilespmem:$0x7880] =	vst v1  }
0x7f: {  	[hbm4b:s8+s22] =	stream.linear.scatter [tilespmem:s17], [sflag:$0x2], $0x2710, $0x38;
	[tilespmem:$0xB9A0] =	vst v63  }
0x80: {  	_ =	swait.ge [sflag:s13], $0x2710  }
0x81: {  	[sflag:s13] =	ssyncset.done $0x0  }
0x82: {  	[sflag:s13] =	ssyncadd.s32 $0xFFFFD8F0  }
0x83: {  	[tilespmem:$0xB900] =	vst v0  }
0x84: {  	[tilespmem:$0xB910] =	vst v0  }
0x85: {  	[spmem:s9] =	stream.linear.scatter [tilespmem:s18], [sflag:$0x2], $0x20, $0x38;
	[tilespmem:$0xB9A0] =	vst v63  }
0x86: {  	_ =	swait.ge [sflag:s13], $0x20  }
0x87: {  	[sflag:s13] =	ssyncset.done $0x0  }
0x88: {  	[sflag:s13] =	ssyncadd.s32 $0xFFFFFFE0  }
0x89: {  	s23 =	simm.s32 $0x7900;
	[bflag:$0x0] =	sbarrier.arrive $0xFFFF  }
.LBB2_4:
0x8a: {  	p1 =	sne.s32 s22, $0x9B00  }
.Ltmp1:
0x8b: {  	_ = 	snop;
	(pc) =	sbr.rel @p1 .LBB2_4-.Ltmp1, $4  }
0x8c: {  	s24 =	sshra.s32 s22, $0x2  }
0x8d: {  	s24 =	sadd.s32 $0x5180, s24  }
0x8e: {  	[spmem:s2] =	stream.indirect.scatter.add.f32 [tilespmem:s24], [sflag:$0x1], $0x1, s23, s19, $0xb8;
	[tilespmem:$0xB9A0] =	vst v63  }
0x8f: {  	s22 =	sadd.s32 $0x140, s22;
	s23 =	sadd.s32 $0x80, s23  }
0x90: {  	_ =	swait.ge [sflag:s20], $0x50  }
0x91: {  	s22 =	simm.s32 $0x7C;
	[sflag:s20] =	ssyncset.done $0x0  }
.LBB2_6:
0x92: {  	p1 =	sne.s32 s22, $0x1;
	s22 =	sadd.s32 $0xFFFFFFFF, s22;
	[sflag:s20] =	ssyncadd.s32 $0xFFFFFFB0  }
.Ltmp2:
0x93: {  	(pc) =	sbr.rel @p1 .LBB2_6-.Ltmp2, $3  }
0x94: {  	_ =	sdelay $0x1  }
0x95: {  	_ =	swait.ge [sflag:s20], $0x50  }
0x96: {  	[sflag:s20] =	ssyncset.done $0x0  }
0x97: {  	[sflag:s20] =	ssyncadd.s32 $0xFFFFFFB0;
	s22 =	sshrl.u32 @!p0 s2, $0x3;
	s23 =	simm.s32 @!p0 $0x1  }
0x98: {  	s24 =	simm.s32 @!p0 $0x20;
	s25 =	simm.s32 @!p0 $0x10;
	s21 =	sadd.s32 $0x1, s21  }
0x99: {  	s26 =	simm.s32 @!p0 $0x1C02;
	[bflag:$0x0] =	sbarrier.arrive $0xFFFF;
	p1 =	sne.s32 s21, s11  }
0x9a: {  	[hbm:s10@s24], [sflag:s26] =	dma.strided @!p0 [spmem:s22@s25], $0x40, s23, $0x10   }
.Ltmp3:
0x9b: {  	_ = 	snop;
	(pc) =	sbr.rel @p1 .LBB2_1-.Ltmp3, $4  }
0x9c: {  	s22 =	simm.s32 @!p0 $0x2  }
0x9d: {  	_ =	swait.ge @!p0 [sflag:s22], $0x40  }
0x9e: {  	[sflag:s22] =	ssyncset.done @!p0 $0x0  }
0x9f: {  	[sflag:s22] =	ssyncadd.s32 @!p0 $0xFFFFFFC0  }
0xa0: {  	_ =	sfence.sel $0x180000  }
0xa1: {  	[bflag:$0x0] =	sbarrier.arrive $0xFFFF  }
0xa2: {  	_ =	strace $0x90000047  }
0xa3: {  	s0 =	sadd.s32 @!p0 $0x100000, s1;
	[bflag:$0x2] =	sbarrier.arrive $0xFFFF  }
0xa4: {  	[sflag:s0] =	ssyncadd.tile.s32 @!p0 $0x1;
	_ =	shalt  }
.Lfunc_end2:
_tile_overlayer_lowered:
.L_overlay_start_2:
0xa5: {  	(tag) =	ssettag $0x2  }
0xa6: {  	s0 =	rddreg [dreg:$0x0];
	s2 =	stileid.u32  }
0xa7: {  	s1 =	rddreg [dreg:$0x1];
	p0 =	sne.s32 s2, $0x0  }
0xa8: {  	s3 =	rddreg [dreg:$0x2];
	[bflag:$0x3] =	sbarrier.arrive $0xFFFF;
	s2 =	simm.s32 @!p0 $0x1C02  }
0xa9: {  	[timem:s3], [sflag:s2] =	dma.local @!p0 [hbm:s0], s1  }
0xaa: {  	s0 =	simm.s32 @!p0 $0x2  }
0xab: {  	_ =	swait.ge @!p0 [sflag:s0], s1  }
0xac: {  	s1 =	ssub.s32 @!p0 $0x0, s1;
	[sflag:s0] =	ssyncset.done @!p0 $0x0  }
0xad: {  	[sflag:s0] =	ssyncadd.s32 @!p0 s1  }
0xae: {  	[bflag:$0x3] =	sbarrier.arrive $0xFFFF  }
0xaf: {  	_ =	shalt  }

// kernel: kernel.9.cloned.1.call-start
scs
__scs_entry_jumppad:
0x0: {  	(pc) =	sbr.rel $0x88, $3  }
0x1: {  	(tag) =	ssettag $0x0;
	lr =	simm.s32 $0x1  }
0x2: {  	[smem:$0x3F96] =	sst lr;
	_ =	strace $0xD0000000  }
0x3: {  	_ = 	snop  }
0x4: {  	_ = 	snop  }
0x5: {  	_ = 	snop  }
0x6: {  	_ = 	snop  }
0x7: {  	_ = 	snop  }
__scs_overlays_trampoline_lowered:
0x8: {  	[smem:$0x3FA5] =	sst s0  }
0x9: {  	[smem:$0x3FA6] =	sst s1  }
0xa: {  	[smem:$0x3FA7] =	sst s2  }
0xb: {  	[smem:$0x3FA8] =	sst s3  }
0xc: {  	[smem:$0x3FA9] =	sst s4  }
0xd: {  	[smem:$0x3FAA] =	sst s5  }
0xe: {  	[smem:$0x3FAB] =	sst s6  }
0xf: {  	[smem:$0x3FAC] =	sst s7  }
0x10: {  	[smem:$0x3FAD] =	sst s8  }
0x11: {  	[smem:$0x3FAE] =	sst s9;
	s0 =	simm.s32 @!p0 $0x0  }
0x12: {  	s1 =	sld [smem:$0x3F94];
	s0 =	simm.s32 @p0 $0x1  }
0x13: {  	[smem:$0x3FAF] =	sst s0;
	s0 =	simm.s32 @!p1 $0x0  }
0x14: {  	s2 =	sld [smem:$0x3F93];
	s0 =	simm.s32 @p1 $0x1  }
0x15: {  	[smem:$0x3FB0] =	sst s0;
	s0 =	simm.s32 @!p2 $0x0  }
0x16: {  	s3 =	sld [smem:$0x3FDB];
	s0 =	simm.s32 @p2 $0x1  }
0x17: {  	s4 =	simm.s32 $0x1BF5;
	[smem:$0x3FB2] =	sst s0  }
0x18: {  	s0 =	sld [smem:$0x3F95];
	_ =	swait.ge [sflag:s4], $0x0  }
0x19: {  	s7 =	sld [smem:$0x3F96]  }
0x1a: {  	s8 =	sadd.s32 $0xFFFFE003, lr  }
0x1b: {  	s9 =	sadd.s32 $0xFFFFFEF7, lr;
	s5 =	simm.s32 $0xFFFFFFFF;
	p2 =	slt.u32 s8, $0xFFFFF086  }
0x1c: {  	p1 =	slt.u32 s9, $0xF7A;
	s5 =	simm.s32 @!p2 $0x0  }
0x1d: {  	s5 =	simm.s32 @p1 $0x1;
	p0 =	seq.s32 s7, s2  }
0x1e: {  	s7 =	smul.u32 @!p0 $0xF7A, s2;
	p2 =	seq.s32 @!p0 s5, $0x0  }
0x1f: {  	s9 =	smul.u32 $0xF7A, s1;
	s8 =	simm.s32 @!p0 $0x1BF5;
	p2 =	por !p2, p0  }
0x20: {  	[sflag:s8] =	ssyncset.s32 @!p0 $0xFFFFF086;
	s6 =	sadd.s32 @!p0 s3, s7;
	s7 =	simm.s32 @!p0 $0x108  }
0x21: {  	s3 =	sadd.s32 s3, s9;
	s6 =	sadd.s32 @!p0 $0x88, s6;
	s7 =	simm.s32 @p2 $0x1082  }
0x22: {  	[simem:s7], [sflag:s8] =	dma.local @!p0 [hbm:s6], $0xF7A  }
0x23: {  	s9 =	sor.u32 $0xD0000000, s2;
	s6 =	simm.s32 $0x108;
	_ =	swait.ge @!p0 [sflag:s8], $0x0  }
0x24: {  	s3 =	sadd.s32 $0x88, s3;
	s6 =	simm.s32 @!p1 $0x1082;
	[sflag:s4] =	ssyncset.s32 $0xFFFFF086  }
0x25: {  	[simem:s6], [sflag:s4] =	dma.local [hbm:s3], $0xF7A  }
0x26: {  	[smem:$0x3F96] =	sst s1;
	(tag) =	ssettag s2;
	_ =	strace s9  }
0x27: {  	s1 =	sld [smem:$0x3FA6]  }
0x28: {  	s2 =	sld [smem:$0x3FA7]  }
0x29: {  	s4 =	sld [smem:$0x3FA9]  }
0x2a: {  	p0 =	seq.s32 s5, $0x0;
	s5 =	sld [smem:$0x3FAA]  }
0x2b: {  	s6 =	sld [smem:$0x3FAB]  }
0x2c: {  	s7 =	sld [smem:$0x3FAC]  }
0x2d: {  	s3 =	simm.s32 $0x108;
	s8 =	sld [smem:$0x3FAD]  }
0x2e: {  	s3 =	simm.s32 @!p0 $0x1082;
	s9 =	sld [smem:$0x3FAE]  }
0x2f: {  	lr =	sadd.s32 s0, s3;
	s0 =	sld [smem:$0x3FA5]  }
0x30: {  	s3 =	sld [smem:$0x3FA8]  }
0x31: {  	[smem:$0x3FB1] =	sst s10  }
0x32: {  	s10 =	sld [smem:$0x3FAF];
	_ =	sdelay $0x3  }
0x33: {  	p0 =	seq.s32 s10, $0x1;
	s10 =	sld [smem:$0x3FB1];
	_ =	sdelay $0x3  }
0x34: {  	[smem:$0x3FB1] =	sst s10  }
0x35: {  	s10 =	sld [smem:$0x3FB0];
	_ =	sdelay $0x3  }
0x36: {  	p1 =	seq.s32 s10, $0x1;
	s10 =	sld [smem:$0x3FB1];
	_ =	sdelay $0x3  }
0x37: {  	[smem:$0x3FB1] =	sst s10  }
0x38: {  	s10 =	sld [smem:$0x3FB2]  }
0x39: {  	_ = 	snop;
	(pc) =	sbr.ind lr, $3  }
0x3a: {  	_ = 	snop  }
0x3b: {  	_ = 	snop  }
0x3c: {  	p2 =	seq.s32 s10, $0x1;
	s10 =	sld [smem:$0x3FB1]  }
0x3d: {  	_ =	shalt  }
0x3e: {  	_ =	shalt  }
0x3f: {  	_ =	shalt  }
0x40: {  	_ =	shalt  }
0x41: {  	_ =	shalt  }
0x42: {  	_ =	shalt  }
0x43: {  	_ =	shalt  }
0x44: {  	_ =	shalt  }
0x45: {  	_ =	shalt  }
0x46: {  	_ =	shalt  }
0x47: {  	_ =	shalt  }
0x48: {  	_ =	shalt  }
0x49: {  	_ =	shalt  }
0x4a: {  	_ =	shalt  }
0x4b: {  	_ =	shalt  }
0x4c: {  	_ =	shalt  }
0x4d: {  	_ =	shalt  }
0x4e: {  	_ =	shalt  }
0x4f: {  	_ =	shalt  }
0x50: {  	_ =	shalt  }
0x51: {  	_ =	shalt  }
0x52: {  	_ =	shalt  }
0x53: {  	_ =	shalt  }
0x54: {  	_ =	shalt  }
0x55: {  	_ =	shalt  }
0x56: {  	_ =	shalt  }
0x57: {  	_ =	shalt  }
0x58: {  	_ =	shalt  }
0x59: {  	_ =	shalt  }
0x5a: {  	_ =	shalt  }
0x5b: {  	_ =	shalt  }
0x5c: {  	_ =	shalt  }
0x5d: {  	_ =	shalt  }
0x5e: {  	_ =	shalt  }
0x5f: {  	_ =	shalt  }
0x60: {  	_ =	shalt  }
0x61: {  	_ =	shalt  }
0x62: {  	_ =	shalt  }
0x63: {  	_ =	shalt  }
0x64: {  	_ =	shalt  }
0x65: {  	_ =	shalt  }
0x66: {  	_ =	shalt  }
0x67: {  	_ =	shalt  }
0x68: {  	_ =	shalt  }
0x69: {  	_ =	shalt  }
0x6a: {  	_ =	shalt  }
0x6b: {  	_ =	shalt  }
0x6c: {  	_ =	shalt  }
0x6d: {  	_ =	shalt  }
0x6e: {  	_ =	shalt  }
0x6f: {  	_ =	shalt  }
0x70: {  	_ =	shalt  }
0x71: {  	_ =	shalt  }
0x72: {  	_ =	shalt  }
0x73: {  	_ =	shalt  }
0x74: {  	_ =	shalt  }
0x75: {  	_ =	shalt  }
0x76: {  	_ =	shalt  }
0x77: {  	_ =	shalt  }
0x78: {  	_ =	shalt  }
0x79: {  	_ =	shalt  }
0x7a: {  	_ =	shalt  }
0x7b: {  	_ =	shalt  }
0x7c: {  	_ =	shalt  }
0x7d: {  	_ =	shalt  }
0x7e: {  	_ =	shalt  }
0x7f: {  	_ =	shalt  }
0x80: {  	_ =	shalt  }
0x81: {  	_ =	shalt  }
0x82: {  	_ =	shalt  }
0x83: {  	_ =	shalt  }
0x84: {  	_ =	shalt  }
0x85: {  	_ =	shalt  }
0x86: {  	_ =	shalt  }
0x87: {  	_ =	shalt  }
.Lfunc_end0:
.L_simem_size_0:
called_computation.1_lowered:
.L_overlay_start_0:
0x88: {  	s2 =	sld [smem:$0x3FD9]  }
0x89: {  	s3 =	sld [smem:$0x3FFE];
	_ =	sdelay $0x1  }
0x8a: {  	s1 =	srdreg.scid  }
0x8b: {  	s0 =	sand.u32 $0x1, s1  }
0x8c: {  	s14 =	sshll.u32 s0, $0xA;
	s2 =	sadd.s32 s3, s2  }
0x8d: {  	s2 =	sadd.s32 s2, s14  }
0x8e: {  	[smem:$0x3FBD] =	sst s2  }
0x8f: {  	_ = 	snop  }
0x90: {  	s2 =	sld [smem:$0x3FD0];
	_ =	sdelay $0x2  }
0x91: {  	s15 =	simm.s32 $0xA;
	s4 =	simm.s32 $0x10  }
0x92: {  	[smem:s4], [sflag:s15] =	dma.local [hbm:s2], $0x1  }
0x93: {  	_ =	swait.eq [sflag:s15], $0x1  }
0x94: {  	[sflag:s15] =	ssyncset.done $0x0  }
0x95: {  	[sflag:s15] =	ssyncadd.s32 $0xFFFFFFFF  }
0x96: {  	s16 =	sld [smem:$0x10];
	(tm) =	ssettm $0x1  }
0x97: {  	s17 =	sld [smem:$0x3FFB];
	_ =	sdelay $0x3  }
0x98: {  	_ =	strace s17  }
0x99: {  	s3 =	sld [smem:$0x3FFC];
	_ =	sdelay $0x3  }
0x9a: {  	_ =	strace s3  }
0x9b: {  	s3 =	sld [smem:$0x3FFD];
	_ =	sdelay $0x3  }
0x9c: {  	_ =	strace s3  }
0x9d: {  	_ =	strace $0x8FFFFFFF  }
0x9e: {  	s18 =	sld [smem:$0x3FDB];
	_ =	sdelay $0x1  }
0x9f: {  	s19 =	simm.s32 $_scs_section_size  }
0xa0: {  	s5 =	simm.s32 $_size__tile_overlayer_lowered;
	s6 =	simm.s32 $_tile_overlayer_lowered  }
0xa1: {  	s22 =	simm.s32 $0x1BFF;
	s21 =	sshll.u32 s6, $0x1;
	s3 =	sadd.s32 s19, s18  }
0xa2: {  	s7 =	simm.s32 $0x0;
	s20 =	sshll.u32 s5, $0x1;
	s5 =	sadd.s32 s21, s3  }
0xa3: {  	[timem:s7], [sflag:s22] =	dma.local [hbm:s5], s20  }
0xa4: {  	_ =	swait.ge [sflag:s22], s20  }
0xa5: {  	s4 =	ssub.s32 $0x0, s20;
	[sflag:s22] =	ssyncset.done $0x0  }
0xa6: {  	[sflag:s22] =	ssyncadd.s32 s4;
	_ =	sdelay $0x1  }
0xa7: {  	s23 =	simm.s32 $0x1B8B  }
0xa8: {  	_ =	swait.ge [sflag:s23], $0x1  }
0xa9: {  	[sflag:s23] =	ssyncset.done $0x0  }
0xaa: {  	s25 =	simm.s32 $0x1B8E;
	s24 =	sld [smem:$0x3FFE];
	[sflag:s23] =	ssyncadd.s32 $0xFFFFFFFF  }
0xab: {  	s26 =	simm.s32 $execute0_lowered;
	[smem:$0x3FD2] =	sst s25  }
0xac: {  	s5 =	sshll.u32 s26, $0x1;
	_ =	strace $0x80000049;
	[dreg:$0x1] =	wrdreg $0xFFFFFFFF  }
0xad: {  	s28 =	simm.s32 $_size_execute0_lowered;
	s3 =	sadd.s32 s3, s5;
	[dreg:$0x0] =	wrdreg $0x0  }
0xae: {  	s5 =	sshll.u32 s28, $0x1;
	[dreg:$0x2] =	wrdreg s3  }
0xaf: {  	[dreg:$0x3] =	wrdreg s5  }
0xb0: {  	[dreg:$0x4] =	wrdreg $0xC0  }
0xb1: {  	_ =	task [dreg:s7], $0x5FFFF  }
0xb2: {  	[dreg:$0x1] =	wrdreg $0xFFFFFFFF  }
0xb3: {  	[dreg:$0x0] =	wrdreg $0x60  }
0xb4: {  	[dreg:$0x2] =	wrdreg s24  }
0xb5: {  	[dreg:$0x3] =	wrdreg s16  }
0xb6: {  	[dreg:$0x4] =	wrdreg $0x9  }
0xb7: {  	_ =	task.clear_ibuf [dreg:s7], $0x5FFFF;
	_ =	strace $0x90000049  }
0xb8: {  	s29 =	simm.s32 $0x9;
	_ =	strace $0x8000004B  }
0xb9: {  	_ =	swait.ge [sflag:s29], $0x1  }
0xba: {  	[sflag:s29] =	ssyncadd.s32 $0xFFFFFFFF  }
0xbb: {  	_ =	strace $0x9000004B  }
0xbc: {  	_ =	sfence  }
0xbd: {  	s30 =	sld [smem:$0x0];
	_ =	sdelay $0x2  }
0xbe: {  	s31 =	sshll.u32 s1, $0xD;
	s1 =	sshrl.u32 s1, $0x2  }
0xbf: {  	s3 =	sand.u32 $0x4000, s31;
	s1 =	sadd.s32 s1, s30  }
0xc0: {  	s0 =	sor.u32 s3, s0;
	s1 =	sshll.u32 s1, $0x11  }
0xc1: {  	s0 =	sor.u32 s1, s0  }
0xc2: {  	s0 =	sadd.s32 $0x8F2B, s0  }
0xc3: {  	[sflag:s0] =	ssyncadd.remote.s32 $0x1  }
0xc4: {  	_ =	sfence.sel $0xFFFF  }
0xc5: {  	[dreg:$0x0] =	wrdreg $0xFFFFFFFF;
	(pc) =	sbr.abs _section_cstart, $3  }
0xc6: {  	[dreg:$0x1] =	wrdreg $0xFFFFFFFF  }
0xc7: {  	_ =	task.clear_ibuf [dreg:s7], $0x2FFFF;
	_ =	strace $0x9FFFFFFF  }
0xc8: {  	(tm) =	ssettm $0x7FFFFFFF  }
0xc9: {  	_ =	shalt  }
tec
execute0_lowered:
.L_overlay_start_1:
0x0: {  	(tag) =	ssettag $0x1  }
0x1: {  	s6 =	rddreg [dreg:$0x0];
	s1 =	srdreg.scid  }
0x2: {  	s0 =	stileid.u32;
	s2 =	rddreg [dreg:$0x1]  }
0x3: {  	s3 =	simm.s32 $0x0;
	s14 =	simm.s32 $0x600;
	s15 =	simm.s32 $0x400  }
0x4: {  	s16 =	simm.s32 $0x6D80;
	s17 =	simm.s32 $0x9500;
	s18 =	simm.s32 $0x1  }
0x5: {  	s19 =	simm.s32 $0xE500;
	s20 =	simm.s32 $0x0;
	s7 =	sand.u32 $0x1, s1  }
0x6: {  	s4 =	sshll.u32 s0, $0x1;
	[smem:$0x7FF] =	sst s3;
	s5 =	sadd.s32 $0x12000, s6  }
0x7: {  	s8 =	sor.u32 s7, s4;
	_ =	strace $0x8000004A;
	s7 =	ssub.s32 $0x2, s7  }
0x8: {  	s4 =	smul.u32 $0x2710, s8;
	s9 =	sshll.u32 s8, $0xB;
	s11 =	sshll.u32 s8, $0xD  }
0x9: {  	s12 =	sshrl.u32 s7, $0x1;
	s13 =	smul.u32 $0x27100, s8;
	s9 =	sadd.s32 s9, s6  }
0xa: {  	v0 =	vlaneseq.u32;
	s11 =	sadd.s32 s11, s6;
	s12 =	ssub.s32 s7, s12;
	s10 =	sshrl.u32 s4, $0x3  }
0xb: {  	v1 =	vimm.f32 $0.0e+00;
	v2 =	vor.u32 $0x10, v0;
	s7 =	sadd.s32 $0x2000, s9;
	s9 =	sadd.s32 s5, s13;
	s10 =	sadd.s32 s10, s6  }
0xc: {  	v3 =	vor.u32 $0x20, v0;
	v4 =	vor.u32 $0x30, v0;
	v5 =	vor.u32 $0x40, v0;
	s13 =	simm.s32 $0x4600;
	s6 =	sadd.s32 $0x4FE000, s10;
	s8 =	sadd.s32 $0x4F4000, s10  }
0xd: {  	v6 =	vor.u32 $0x50, v0;
	v7 =	vor.u32 $0x60, v0;
	v8 =	vor.u32 $0x70, v0;
	s10 =	sadd.s32 $0x507E00, s11;
	s11 =	smax.u32 s12, $0x1;
	s12 =	simm.s32 $0x2  }
.LBB2_1:
0xe: {  	[tilespmem:s3], [sflag:$0x2] =	stream.linear.gather [hbm4b:s2+s3], $0x400, $0x38;
	[tilespmem:$0x1E500] =	vst v63  }
0xf: {  	_ =	swait.ge [sflag:s12], $0x400  }
0x10: {  	s21 =	sand.u32 $0x70, s3;
	s22 =	sand.u32 $0x300, s3;
	[sflag:s12] =	ssyncset.done $0x0  }
0x11: {  	s21 =	sor.u32 s21, s22;
	[sflag:s12] =	ssyncadd.s32 $0xFFFFFC00  }
0x12: {  	v9 =	vld [tilespmem:s21+$0x80]  }
0x13: {  	v10 =	vld [tilespmem:s21+$0x0];
	_ =	sdelay $0x4  }
0x14: {  	v9 =	vadd.f32 v9, v10;
	_ =	sdelay $0x1  }
0x15: {  	(erf) = vrcp.f32 v9;
	_ =	sdelay $0x8  }
0x16: {  	s31 =	simm.s32 $0x10;
	s22 =	simm.s32 $0x20;
	vm0 =	vgt.f32 v9, $0.0e+00;
	v9 =	vpop (erf)  }
0x17: {  	s23 =	sand.u32 $0x300, s22;
	s21 =	sand.u32 $0x70, s31;
	v9 =	vnsel vm0, $0x0, v9  }
0x18: {  	s24 =	sor.u32 s21, s23;
	s23 =	simm.s32 $0x20;
	s21 =	simm.s32 $0x400;
	[tilespmem:s15+$0x0] =	vst v9  }
.LBB2_2:
0x19: {  	p0 =	sne.s32 s23, $0x1F0;
	v9 =	vld [tilespmem:s24+$0x80]  }
0x1a: {  	v10 =	vld [tilespmem:s24+$0x0];
	_ =	sdelay $0x4  }
0x1b: {  	v9 =	vadd.f32 v9, v10;
	_ =	sdelay $0x1  }
0x1c: {  	(erf) = vrcp.f32 v9;
	_ =	sdelay $0x6  }
.Ltmp0:
0x1d: {  	(pc) =	sbr.rel @p0 .LBB2_2-.Ltmp0, $4  }
0x1e: {  	_ = 	snop  }
0x1f: {  	s22 =	sadd.s32 $0x20, s22;
	vm0 =	vgt.f32 v9, $0.0e+00;
	v9 =	vpop (erf)  }
0x20: {  	s21 =	sadd.s32 $0x10, s21;
	s24 =	sand.u32 $0x70, s23;
	s25 =	sand.u32 $0x300, s22;
	v9 =	vnsel vm0, $0x0, v9  }
0x21: {  	s23 =	sadd.s32 $0x10, s23;
	s24 =	sor.u32 s24, s25;
	[tilespmem:s21+$0x0] =	vst v9  }
0x22: {  	v9 =	vld [tilespmem:s24+$0x80]  }
0x23: {  	v10 =	vld [tilespmem:s24+$0x0];
	_ =	sdelay $0x4  }
0x24: {  	v9 =	vadd.f32 v9, v10;
	_ =	sdelay $0x1  }
0x25: {  	(erf) = vrcp.f32 v9;
	_ =	sdelay $0x8  }
0x26: {  	vm0 =	vgt.f32 v9, $0.0e+00;
	v9 =	vpop (erf)  }
0x27: {  	s21 =	sadd.s32 $0x10, s21;
	v9 =	vnsel vm0, $0x0, v9  }
0x28: {  	[tilespmem:s21+$0x0] =	vst v9;
	s21 =	simm.s32 $0x0  }
0x29: {  	[tilespmem:s13], [sflag:$0x2] =	stream.linear.gather [hbm4b:s6+s21], $0x2710, $0x38;
	[tilespmem:$0x1E500] =	vst v63  }
0x2a: {  	_ =	swait.ge [sflag:s12], $0x2710  }
0x2b: {  	[sflag:s12] =	ssyncset.done $0x0  }
0x2c: {  	[sflag:s12] =	ssyncadd.s32 $0xFFFFD8F0  }
0x2d: {  	[tilespmem:s14], [sflag:$0x2] =	stream.linear.gather [hbm4b:s7+s21], $0x3E80, $0x38;
	[tilespmem:$0x1E500] =	vst v63  }
0x2e: {  	_ =	swait.ge [sflag:s12], $0x3E80  }
0x2f: {  	[sflag:s12] =	ssyncset.done $0x0  }
0x30: {  	s22 =	simm.s32 $0x620;
	[sflag:s12] =	ssyncadd.s32 $0xFFFFC180  }
.LBB2_4:
0x31: {  	v9 =	vld [tilespmem:s22+$0xFFFFFFE0];
	_ =	sdelay $0x5  }
0x32: {  	s23 =	sshra.s32 s21, $0x2  }
0x33: {  	v10 =	vld [tilespmem:s23+$0x4600]  }
0x34: {  	v9 =	vld.idx.msk [tilespmem:v9+s15+$0x0], $0xffff;
	_ =	sdelay $0x4  }
0x35: {  	v9 =	vmul.f32 v10, v9;
	_ =	sdelay $0x1  }
0x36: {  	[tilespmem:s23+$0x6D80] =	vst v9  }
0x37: {  	v9 =	vld [tilespmem:s22+$0xFFFFFFF0];
	_ =	sdelay $0x6  }
0x38: {  	v10 =	vld [tilespmem:s23+$0x4610]  }
0x39: {  	v9 =	vld.idx.msk [tilespmem:v9+s15+$0x0], $0xffff;
	_ =	sdelay $0x4  }
0x3a: {  	v9 =	vmul.f32 v10, v9;
	_ =	sdelay $0x1  }
0x3b: {  	[tilespmem:s23+$0x6D90] =	vst v9  }
0x3c: {  	v9 =	vld [tilespmem:s22+$0x0];
	_ =	sdelay $0x6  }
0x3d: {  	v10 =	vld [tilespmem:s23+$0x4620]  }
0x3e: {  	v9 =	vld.idx.msk [tilespmem:v9+s15+$0x0], $0xffff;
	_ =	sdelay $0x4  }
0x3f: {  	v9 =	vmul.f32 v10, v9;
	_ =	sdelay $0x1  }
0x40: {  	[tilespmem:s23+$0x6DA0] =	vst v9  }
0x41: {  	v9 =	vld [tilespmem:s22+$0x10];
	_ =	sdelay $0x6  }
0x42: {  	v10 =	vld [tilespmem:s23+$0x4630]  }
0x43: {  	v9 =	vld.idx.msk [tilespmem:v9+s15+$0x0], $0xffff;
	_ =	sdelay $0x4  }
0x44: {  	v9 =	vmul.f32 v10, v9;
	_ =	sdelay $0x1  }
0x45: {  	[tilespmem:s23+$0x6DB0] =	vst v9  }
0x46: {  	v9 =	vld [tilespmem:s22+$0x20];
	_ =	sdelay $0x6  }
0x47: {  	v10 =	vld [tilespmem:s23+$0x4640]  }
0x48: {  	v9 =	vld.idx.msk [tilespmem:v9+s15+$0x0], $0xffff;
	_ =	sdelay $0x1  }
0x49: {  	p0 =	sne.s32 s21, $0x9B00  }
.Ltmp1:
0x4a: {  	_ = 	snop;
	(pc) =	sbr.rel @p0 .LBB2_4-.Ltmp1, $3  }
0x4b: {  	_ = 	snop  }
0x4c: {  	v9 =	vmul.f32 v10, v9;
	_ =	sdelay $0x1  }
0x4d: {  	s21 =	sadd.s32 $0x140, s21;
	s22 =	sadd.s32 $0x80, s22;
	[tilespmem:s23+$0x6DC0] =	vst v9  }
0x4e: {  	s21 =	simm.s32 $0x0  }
0x4f: {  	[hbm4b:s8+s21] =	stream.linear.scatter [tilespmem:s16], [sflag:$0x2], $0x2710, $0x38;
	[tilespmem:$0x1E500] =	vst v63  }
0x50: {  	s22 =	sand.u32 $0x3FE00, s21;
	_ =	swait.ge [sflag:s12], $0x2710  }
0x51: {  	s23 =	sand.u32 $0x70, s21;
	s24 =	sshrl.u32 s22, $0x2;
	[sflag:s12] =	ssyncset.done $0x0  }
0x52: {  	s22 =	simm.s32 $0x40;
	s23 =	sor.u32 s23, s24;
	[sflag:s12] =	ssyncadd.s32 $0xFFFFD8F0  }
.LBB2_6:
0x53: {  	p0 =	sne.s32 s22, $0x3FFC0  }
0x54: {  	[tilespmem:s23+$0xE500] =	vst v1;
	s21 =	sadd.s32 $0x10, s21;
	s23 =	smov.u32 s22;
	s22 =	sadd.s32 $0x40, s22  }
.Ltmp2:
0x55: {  	(pc) =	sbr.rel @p0 .LBB2_6-.Ltmp2, $4  }
0x56: {  	_ = 	snop  }
0x57: {  	s23 =	sand.u32 $0x3FE00, s23  }
0x58: {  	s24 =	sand.u32 $0x70, s21;
	s23 =	sshrl.u32 s23, $0x2  }
0x59: {  	s23 =	sor.u32 s24, s23  }
0x5a: {  	s21 =	simm.s32 $0x0  }
0x5b: {  	[tilespmem:s23+$0xE500] =	vst v1;
	p0 =	por $0x0, $0x0;
	s22 =	simm.s32 $0x0;
	s23 =	simm.s32 $0x0  }
0x5c: {  	[tilespmem:s17], [sflag:$0x1] =	stream.linear.gather [hbm4b:s9+s21], $0x2800, $0x38;
	[tilespmem:$0x1E500] =	vst v63  }
.LBB2_9:
0x5d: {  	s24 =	smov.u32 s23;
	s25 =	sand.u32 $0x1, s23;
	p1 =	seq.s32 s23, $0x7C  }
0x5e: {  	s23 =	sadd.s32 $0x1, s23;
	v10 =	vmov s21;
	s1 =	simm.s32 $0x1;
	s26 =	simm.s32 $0x2  }
0x5f: {  	s25 =	sxor.u32 @!p1 $0x1, s25;
	s24 =	sshll.u32 s24, $0x7;
	v10 =	vand.u32 $0x78, v10;
	s29 =	smul.u32 @!p1 $0x50, s23  }
0x60: {  	s28 =	simm.s32 $0x3;
	v11 =	vmov s1;
	v12 =	vmov s26;
	v9 =	vmov s24;
	s25 =	smul.u32 @!p1 $0xA000, s25  }
0x61: {  	v13 =	vmov s28;
	v11 =	vand.u32 $0x79, v11;
	v10 =	vor.u32 v9, v10;
	s26 =	sadd.s32 @!p1 s4, s29  }
0x62: {  	s28 =	simm.s32 @!p1 $0x0;
	v12 =	vand.u32 $0x7A, v12;
	v11 =	vor.u32 v9, v11;
	s24 =	sshrl.u32 @!p1 s25, $0x2;
	s25 =	sshll.u32 @!p1 s26, $0x4;
	v10 =	vbroadcast v10, $0x0  }
0x63: {  	v13 =	vand.u32 $0x7B, v13;
	s29 =	simm.s32 $0x7;
	v12 =	vor.u32 v9, v12;
	v11 =	vbroadcast v11, $0x0;
	s24 =	sadd.s32 @!p1 $0x9500, s24;
	s25 =	sadd.s32 @!p1 s5, s25  }
0x64: {  	v13 =	vor.u32 v9, v13;
	v12 =	vbroadcast v12, $0x0;
	[tilespmem:s24], [sflag:$0x1] =	stream.linear.gather @!p1 [hbm4b:s25+s28], $0x2800, $0x38;
	[tilespmem:$0x1E500] =	vst v63  }
0x65: {  	s30 =	simm.s32 $0x4;
	s31 =	simm.s32 $0x5;
	v17 =	vmov s29;
	v13 =	vbroadcast v13, $0x0;
	_ =	swait.ge [sflag:s18], $0x2800  }
0x66: {  	v14 =	vmov s30;
	v15 =	vmov s31;
	s1 =	simm.s32 $0x6;
	s26 =	simm.s32 $0x1;
	v17 =	vand.u32 $0x7F, v17;
	[sflag:s18] =	ssyncset.done $0x0  }
0x67: {  	v16 =	vmov s1;
	v14 =	vand.u32 $0x7C, v14;
	s26 =	simm.s32 @!p0 $0x0;
	v17 =	vor.u32 v9, v17;
	[sflag:s18] =	ssyncadd.s32 $0xFFFFD800  }
0x68: {  	v15 =	vand.u32 $0x7D, v15;
	v14 =	vor.u32 v9, v14;
	s26 =	smul.u32 $0xA000, s26;
	v17 =	vbroadcast v17, $0x0;
	v21 =	vld.idx.msk [tilespmem:v10+s14+$0x0], $0xffff  }
0x69: {  	v15 =	vor.u32 v9, v15;
	v16 =	vand.u32 $0x7E, v16;
	v14 =	vbroadcast v14, $0x0;
	s25 =	sadd.s32 $0x0, s22;
	v18 =	vld.idx.msk [tilespmem:v11+s14+$0x0], $0xffff  }
0x6a: {  	s30 =	sadd.s32 $0x7, s25;
	s26 =	sshrl.u32 s26, $0x2;
	v10 =	vbroadcast v15, $0x0;
	v15 =	vor.u32 v9, v16;
	v20 =	vld.idx.msk [tilespmem:v12+s14+$0x0], $0xffff  }
0x6b: {  	s24 =	sadd.s32 $0x9700, s26;
	v22 =	vld.idx.msk [tilespmem:v13+s14+$0x0], $0xffff;
	v12 =	vmov s30;
	v11 =	vbroadcast v15, $0x0  }
0x6c: {  	v27 =	vld [tilespmem:s24+$0xFFFFFE00]  }
0x6d: {  	s31 =	sadd.s32 $0x1, s25;
	v28 =	vld [tilespmem:s24+$0xFFFFFE80]  }
0x6e: {  	s28 =	sadd.s32 $0x2, s25;
	v15 =	vmov s31;
	v13 =	vld.idx.msk [tilespmem:v17+s14+$0x0], $0xffff  }
0x6f: {  	v15 =	vand.u32 $0xFFFFFFF9, v15;
	v17 =	vld.idx.msk [tilespmem:v14+s14+$0x0], $0xffff;
	v14 =	vmov s28  }
0x70: {  	v15 =	vbroadcast v15, $0x0;
	v14 =	vand.u32 $0xFFFFFFFA, v14;
	v24 =	vld.idx.msk [tilespmem:v12+s16+$0x0], $0xffff  }
0x71: {  	v26 =	vld.idx.msk [tilespmem:v11+s14+$0x0], $0xffff;
	v11 =	vbroadcast v14, $0x0  }
0x72: {  	s1 =	sadd.s32 $0x3, s25;
	v12 =	vld [tilespmem:s24+$0x180]  }
0x73: {  	s29 =	sadd.s32 $0x4, s25;
	v23 =	vld.idx.msk [tilespmem:v10+s14+$0x0], $0xffff;
	v10 =	vmov s1;
	v25 =	vshll.u32 v13, $0x7  }
0x74: {  	s30 =	sadd.s32 $0x6, s25;
	v30 =	vld [tilespmem:s24+$0xFFFFFF00];
	v10 =	vand.u32 $0xFFFFFFFB, v10;
	v14 =	vmov s29;
	v19 =	vor.u32 v0, v25  }
0x75: {  	v49 =	vld [tilespmem:s24+$0x0];
	v16 =	vmov s30;
	v10 =	vbroadcast v10, $0x0;
	v14 =	vand.u32 $0xFFFFFFFC, v14  }
0x76: {  	v31 =	vand.u32 $0xFFFFFFFE, v16;
	s28 =	sadd.s32 $0x5, s25;
	v29 =	vbroadcast v14, $0x0;
	v16 =	vld.idx.msk [tilespmem:v15+s16+$0x0], $0xffff  }
0x77: {  	v31 =	vbroadcast v31, $0x0;
	v13 =	vmov s28;
	v15 =	vld.idx.msk [tilespmem:v11+s16+$0x0], $0xffff;
	v11 =	vmul.f32 v12, v24  }
0x78: {  	v36 =	vld [tilespmem:s24+$0x80];
	v13 =	vand.u32 $0xFFFFFFFD, v13  }
0x79: {  	v32 =	vbroadcast v13, $0x0;
	[tilespmem:v19+s19+$0x0] =	vst.idx.add.f32.msk $0xffff, v11  }
0x7a: {  	v14 =	vmov s25;
	v19 =	vshll.u32 v18, $0x7;
	v34 =	vld [tilespmem:s24+$0x190]  }
0x7b: {  	v13 =	vand.u32 $0xFFFFFFF8, v14;
	v14 =	vld.idx.msk [tilespmem:v10+s16+$0x0], $0xffff;
	v48 =	vor.u32 v0, v19  }
0x7c: {  	v33 =	vbroadcast v13, $0x0;
	v13 =	vld.idx.msk [tilespmem:v29+s16+$0x0], $0xffff;
	v29 =	vor.u32 v2, v25  }
0x7d: {  	v20 =	vshll.u32 v20, $0x7;
	v11 =	vld.idx.msk [tilespmem:v31+s16+$0x0], $0xffff  }
0x7e: {  	v35 =	vor.u32 v0, v20;
	v31 =	vld [tilespmem:s24+$0xFFFFFF80];
	v18 =	vshll.u32 v22, $0x7;
	v22 =	vmul.f32 v28, v16  }
0x7f: {  	v12 =	vld.idx.msk [tilespmem:v32+s16+$0x0], $0xffff;
	v47 =	vmul.f32 v34, v24  }
0x80: {  	v17 =	vshll.u32 v17, $0x7;
	[tilespmem:v48+s19+$0x0] =	vst.idx.add.f32.msk $0xffff, v22  }
0x81: {  	v28 =	vor.u32 v0, v17;
	v30 =	vmul.f32 v30, v15;
	[tilespmem:v29+s19+$0x0] =	vst.idx.add.f32.msk $0xffff, v47  }
0x82: {  	v22 =	vshll.u32 v23, $0x7;
	v29 =	vor.u32 v0, v18;
	v32 =	vld [tilespmem:s24+$0x1A0]  }
0x83: {  	[tilespmem:v35+s19+$0x0] =	vst.idx.add.f32.msk $0xffff, v30;
	v30 =	vor.u32 v0, v22  }
0x84: {  	v37 =	vld [tilespmem:s24+$0x100];
	v38 =	vor.u32 v3, v25;
	v50 =	vmul.f32 v49, v13  }
0x85: {  	v10 =	vld.idx.msk [tilespmem:v33+s16+$0x0], $0xffff;
	v31 =	vmul.f32 v31, v14  }
0x86: {  	v23 =	vshll.u32 v26, $0x7;
	[tilespmem:v28+s19+$0x0] =	vst.idx.add.f32.msk $0xffff, v50;
	v28 =	vmul.f32 v36, v12  }
0x87: {  	v26 =	vor.u32 v0, v23;
	[tilespmem:v29+s19+$0x0] =	vst.idx.add.f32.msk $0xffff, v31;
	v29 =	vmul.f32 v32, v24  }
0x88: {  	v21 =	vshll.u32 v21, $0x7;
	[tilespmem:v30+s19+$0x0] =	vst.idx.add.f32.msk $0xffff, v28  }
0x89: {  	v31 =	vor.u32 v0, v21;
	[tilespmem:v38+s19+$0x0] =	vst.idx.add.f32.msk $0xffff, v29  }
0x8a: {  	v29 =	vmul.f32 v37, v11;
	v51 =	vld [tilespmem:s24+$0x1B0]  }
0x8b: {  	v28 =	vld [tilespmem:s24+$0xFFFFFF10]  }
0x8c: {  	v27 =	vmul.f32 v27, v10;
	[tilespmem:v26+s19+$0x0] =	vst.idx.add.f32.msk $0xffff, v29;
	v26 =	vor.u32 v4, v25  }
0x8d: {  	v52 =	vld [tilespmem:s24+$0x10]  }
0x8e: {  	[tilespmem:v31+s19+$0x0] =	vst.idx.add.f32.msk $0xffff, v27;
	v31 =	vor.u32 v2, v20  }
0x8f: {  	v53 =	vld [tilespmem:s24+$0x90];
	v29 =	vmul.f32 v51, v24  }
0x90: {  	v27 =	vld [tilespmem:s24+$0xFFFFFE90]  }
0x91: {  	v28 =	vmul.f32 v28, v15;
	[tilespmem:v26+s19+$0x0] =	vst.idx.add.f32.msk $0xffff, v29  }
0x92: {  	v26 =	vor.u32 v2, v19;
	v29 =	vld [tilespmem:s24+$0x1C0]  }
0x93: {  	[tilespmem:v31+s19+$0x0] =	vst.idx.add.f32.msk $0xffff, v28;
	v28 =	vor.u32 v2, v22  }
0x94: {  	v54 =	vor.u32 v5, v25;
	v30 =	vld [tilespmem:s24+$0xFFFFFF90]  }
0x95: {  	v55 =	vld [tilespmem:s24+$0x110];
	v27 =	vmul.f32 v27, v16  }
0x96: {  	v33 =	vmul.f32 v53, v12;
	v56 =	vld [tilespmem:s24+$0xFFFFFE10]  }
0x97: {  	[tilespmem:v26+s19+$0x0] =	vst.idx.add.f32.msk $0xffff, v27;
	v26 =	vor.u32 v2, v17;
	v27 =	vmul.f32 v29, v24  }
0x98: {  	[tilespmem:v28+s19+$0x0] =	vst.idx.add.f32.msk $0xffff, v33  }
0x99: {  	v57 =	vor.u32 v2, v18;
	[tilespmem:v54+s19+$0x0] =	vst.idx.add.f32.msk $0xffff, v27  }
0x9a: {  	v31 =	vor.u32 v2, v21;
	v27 =	vmul.f32 v52, v13;
	v58 =	vld [tilespmem:s24+$0x1D0]  }
0x9b: {  	v33 =	vld [tilespmem:s24+$0xA0];
	v29 =	vmul.f32 v30, v14;
	v30 =	vor.u32 v2, v23  }
0x9c: {  	[tilespmem:v26+s19+$0x0] =	vst.idx.add.f32.msk $0xffff, v27;
	v26 =	vor.u32 v6, v25  }
0x9d: {  	v28 =	vld [tilespmem:s24+$0xFFFFFEA0];
	v27 =	vmul.f32 v56, v10  }
0x9e: {  	[tilespmem:v57+s19+$0x0] =	vst.idx.add.f32.msk $0xffff, v29;
	v29 =	vmul.f32 v55, v11  }
0x9f: {  	[tilespmem:v31+s19+$0x0] =	vst.idx.add.f32.msk $0xffff, v27;
	v27 =	vmul.f32 v58, v24  }
0xa0: {  	[tilespmem:v30+s19+$0x0] =	vst.idx.add.f32.msk $0xffff, v29  }
0xa1: {  	[tilespmem:v26+s19+$0x0] =	vst.idx.add.f32.msk $0xffff, v27  }
0xa2: {  	v26 =	vld [tilespmem:s24+$0x1E0]  }
0xa3: {  	v59 =	vor.u32 v3, v19;
	v29 =	vld [tilespmem:s24+$0xFFFFFFA0]  }
0xa4: {  	v30 =	vor.u32 v7, v25;
	v31 =	vld [tilespmem:s24+$0x20]  }
0xa5: {  	v27 =	vld [tilespmem:s24+$0xFFFFFF20]  }
0xa6: {  	v63 =	vor.u32 v3, v18;
	v28 =	vmul.f32 v28, v16;
	v61 =	vld [tilespmem:s24+$0x120]  }
0xa7: {  	v40 =	vor.u32 v3, v17;
	v62 =	vld [tilespmem:s24+$0xFFFFFE20];
	v26 =	vmul.f32 v26, v24  }
0xa8: {  	v60 =	vor.u32 v3, v20;
	[tilespmem:v59+s19+$0x0] =	vst.idx.add.f32.msk $0xffff, v28  }
0xa9: {  	v28 =	vor.u32 v3, v23;
	v29 =	vmul.f32 v29, v14;
	[tilespmem:v30+s19+$0x0] =	vst.idx.add.f32.msk $0xffff, v26  }
0xaa: {  	v31 =	vmul.f32 v31, v13;
	v26 =	vmul.f32 v27, v15;
	v27 =	vor.u32 v3, v22;
	v30 =	vld [tilespmem:s24+$0x1F0]  }
0xab: {  	[tilespmem:v63+s19+$0x0] =	vst.idx.add.f32.msk $0xffff, v29  }
0xac: {  	v25 =	vor.u32 v8, v25;
	v29 =	vmul.f32 v61, v11;
	[tilespmem:v40+s19+$0x0] =	vst.idx.add.f32.msk $0xffff, v31  }
0xad: {  	[tilespmem:v60+s19+$0x0] =	vst.idx.add.f32.msk $0xffff, v26;
	v26 =	vmul.f32 v33, v12  }
0xae: {  	[tilespmem:v28+s19+$0x0] =	vst.idx.add.f32.msk $0xffff, v29  }
0xaf: {  	v41 =	vor.u32 v3, v21;
	[tilespmem:v27+s19+$0x0] =	vst.idx.add.f32.msk $0xffff, v26;
	v24 =	vmul.f32 v30, v24  }
0xb0: {  	v27 =	vld [tilespmem:s24+$0xFFFFFFB0]  }
0xb1: {  	[tilespmem:v25+s19+$0x0] =	vst.idx.add.f32.msk $0xffff, v24  }
0xb2: {  	v26 =	vmul.f32 v62, v10;
	v24 =	vld [tilespmem:s24+$0xFFFFFEB0]  }
0xb3: {  	v25 =	vld [tilespmem:s24+$0xFFFFFF30]  }
0xb4: {  	[tilespmem:v41+s19+$0x0] =	vst.idx.add.f32.msk $0xffff, v26;
	v26 =	vor.u32 v4, v19  }
0xb5: {  	v28 =	vor.u32 v4, v20;
	v29 =	vld [tilespmem:s24+$0x30]  }
0xb6: {  	v30 =	vor.u32 v4, v18;
	v31 =	vld [tilespmem:s24+$0xB0]  }
0xb7: {  	v42 =	vor.u32 v4, v17;
	v43 =	vld [tilespmem:s24+$0x130];
	v24 =	vmul.f32 v24, v16  }
0xb8: {  	v45 =	vor.u32 v4, v22;
	v44 =	vld [tilespmem:s24+$0xFFFFFE30];
	v25 =	vmul.f32 v25, v15  }
0xb9: {  	[tilespmem:v26+s19+$0x0] =	vst.idx.add.f32.msk $0xffff, v24;
	v24 =	vmul.f32 v27, v14  }
0xba: {  	v26 =	vor.u32 v4, v23;
	[tilespmem:v28+s19+$0x0] =	vst.idx.add.f32.msk $0xffff, v25;
	v25 =	vmul.f32 v29, v13  }
0xbb: {  	v27 =	vor.u32 v4, v21;
	[tilespmem:v30+s19+$0x0] =	vst.idx.add.f32.msk $0xffff, v24;
	v24 =	vmul.f32 v31, v12  }
0xbc: {  	[tilespmem:v42+s19+$0x0] =	vst.idx.add.f32.msk $0xffff, v25  }
0xbd: {  	v25 =	vmul.f32 v43, v11;
	[tilespmem:v45+s19+$0x0] =	vst.idx.add.f32.msk $0xffff, v24  }
0xbe: {  	v28 =	vmul.f32 v44, v10;
	v24 =	vld [tilespmem:s24+$0xFFFFFEC0]  }
0xbf: {  	[tilespmem:v26+s19+$0x0] =	vst.idx.add.f32.msk $0xffff, v25  }
0xc0: {  	[tilespmem:v27+s19+$0x0] =	vst.idx.add.f32.msk $0xffff, v28  }
0xc1: {  	v25 =	vld [tilespmem:s24+$0xFFFFFF40]  }
0xc2: {  	v26 =	vor.u32 v5, v19;
	v27 =	vld [tilespmem:s24+$0xFFFFFFC0]  }
0xc3: {  	v29 =	vld [tilespmem:s24+$0x40];
	v28 =	vor.u32 v5, v20  }
0xc4: {  	v30 =	vor.u32 v5, v18;
	v31 =	vld [tilespmem:s24+$0xC0]  }
0xc5: {  	v46 =	vor.u32 v5, v17;
	v47 =	vld [tilespmem:s24+$0x140];
	v24 =	vmul.f32 v24, v16  }
0xc6: {  	v49 =	vor.u32 v5, v22;
	v48 =	vld [tilespmem:s24+$0xFFFFFE40];
	v25 =	vmul.f32 v25, v15  }
0xc7: {  	[tilespmem:v26+s19+$0x0] =	vst.idx.add.f32.msk $0xffff, v24;
	v24 =	vmul.f32 v27, v14  }
0xc8: {  	v26 =	vor.u32 v5, v23;
	[tilespmem:v28+s19+$0x0] =	vst.idx.add.f32.msk $0xffff, v25;
	v25 =	vmul.f32 v29, v13  }
0xc9: {  	v27 =	vor.u32 v5, v21;
	[tilespmem:v30+s19+$0x0] =	vst.idx.add.f32.msk $0xffff, v24;
	v24 =	vmul.f32 v31, v12  }
0xca: {  	[tilespmem:v46+s19+$0x0] =	vst.idx.add.f32.msk $0xffff, v25  }
0xcb: {  	v25 =	vmul.f32 v47, v11;
	[tilespmem:v49+s19+$0x0] =	vst.idx.add.f32.msk $0xffff, v24  }
0xcc: {  	v28 =	vmul.f32 v48, v10;
	v24 =	vld [tilespmem:s24+$0xFFFFFED0]  }
0xcd: {  	[tilespmem:v26+s19+$0x0] =	vst.idx.add.f32.msk $0xffff, v25  }
0xce: {  	[tilespmem:v27+s19+$0x0] =	vst.idx.add.f32.msk $0xffff, v28  }
0xcf: {  	v25 =	vld [tilespmem:s24+$0xFFFFFF50]  }
0xd0: {  	v26 =	vor.u32 v6, v19;
	v27 =	vld [tilespmem:s24+$0xFFFFFFD0]  }
0xd1: {  	v29 =	vld [tilespmem:s24+$0x50];
	v28 =	vor.u32 v6, v20  }
0xd2: {  	v30 =	vor.u32 v6, v18;
	v31 =	vld [tilespmem:s24+$0xD0]  }
0xd3: {  	v50 =	vor.u32 v6, v17;
	v51 =	vld [tilespmem:s24+$0x150];
	v24 =	vmul.f32 v24, v16  }
0xd4: {  	v53 =	vor.u32 v6, v22;
	v52 =	vld [tilespmem:s24+$0xFFFFFE50];
	v25 =	vmul.f32 v25, v15  }
0xd5: {  	[tilespmem:v26+s19+$0x0] =	vst.idx.add.f32.msk $0xffff, v24;
	v24 =	vmul.f32 v27, v14  }
0xd6: {  	v26 =	vor.u32 v6, v23;
	[tilespmem:v28+s19+$0x0] =	vst.idx.add.f32.msk $0xffff, v25;
	v25 =	vmul.f32 v29, v13  }
0xd7: {  	v27 =	vor.u32 v6, v21;
	[tilespmem:v30+s19+$0x0] =	vst.idx.add.f32.msk $0xffff, v24;
	v24 =	vmul.f32 v31, v12  }
0xd8: {  	[tilespmem:v50+s19+$0x0] =	vst.idx.add.f32.msk $0xffff, v25  }
0xd9: {  	v25 =	vmul.f32 v51, v11;
	[tilespmem:v53+s19+$0x0] =	vst.idx.add.f32.msk $0xffff, v24  }
0xda: {  	v28 =	vmul.f32 v52, v10;
	v24 =	vld [tilespmem:s24+$0xFFFFFEE0]  }
0xdb: {  	[tilespmem:v26+s19+$0x0] =	vst.idx.add.f32.msk $0xffff, v25  }
0xdc: {  	[tilespmem:v27+s19+$0x0] =	vst.idx.add.f32.msk $0xffff, v28  }
0xdd: {  	v25 =	vld [tilespmem:s24+$0xFFFFFF60]  }
0xde: {  	v26 =	vor.u32 v7, v19;
	v27 =	vld [tilespmem:s24+$0xFFFFFFE0]  }
0xdf: {  	v29 =	vld [tilespmem:s24+$0x60];
	v28 =	vor.u32 v7, v20  }
0xe0: {  	v30 =	vor.u32 v7, v18;
	v31 =	vld [tilespmem:s24+$0xE0]  }
0xe1: {  	v55 =	vld [tilespmem:s24+$0x160];
	v24 =	vmul.f32 v24, v16  }
0xe2: {  	v54 =	vor.u32 v7, v17;
	v56 =	vld [tilespmem:s24+$0xFFFFFE60];
	v25 =	vmul.f32 v25, v15  }
0xe3: {  	[tilespmem:v26+s19+$0x0] =	vst.idx.add.f32.msk $0xffff, v24;
	v24 =	vmul.f32 v27, v14  }
0xe4: {  	v57 =	vor.u32 v7, v22;
	[tilespmem:v28+s19+$0x0] =	vst.idx.add.f32.msk $0xffff, v25  }
0xe5: {  	v27 =	vor.u32 v7, v21;
	v25 =	vmul.f32 v29, v13;
	[tilespmem:v30+s19+$0x0] =	vst.idx.add.f32.msk $0xffff, v24  }
0xe6: {  	v24 =	vmul.f32 v31, v12;
	v31 =	vld [tilespmem:s24+$0xFFFFFF70]  }
0xe7: {  	[tilespmem:v54+s19+$0x0] =	vst.idx.add.f32.msk $0xffff, v25  }
0xe8: {  	v17 =	vor.u32 v8, v17;
	v26 =	vor.u32 v7, v23;
	v28 =	vmul.f32 v56, v10;
	v60 =	vld [tilespmem:s24+$0xFFFFFFF0]  }
0xe9: {  	v59 =	vor.u32 v8, v19;
	v61 =	vor.u32 v8, v20;
	[tilespmem:v57+s19+$0x0] =	vst.idx.add.f32.msk $0xffff, v24  }
0xea: {  	s1 =	simm.s32 $0xB;
	s25 =	simm.s32 $0x8;
	v18 =	vor.u32 v8, v18;
	v21 =	vor.u32 v8, v21;
	[tilespmem:v27+s19+$0x0] =	vst.idx.add.f32.msk $0xffff, v28  }
0xeb: {  	s28 =	simm.s32 $0xA;
	v29 =	vmov s1;
	v25 =	vmul.f32 v55, v11;
	v24 =	vmov s25;
	v28 =	vld [tilespmem:s24+$0xFFFFFEF0]  }
0xec: {  	s31 =	simm.s32 $0x9;
	s30 =	simm.s32 $0xD;
	v29 =	vand.u32 $0x7B, v29;
	v62 =	vld [tilespmem:s24+$0x70];
	v24 =	vand.u32 $0x78, v24;
	v27 =	vmov s28;
	s28 =	simm.s32 $0xC  }
0xed: {  	[tilespmem:v26+s19+$0x0] =	vst.idx.add.f32.msk $0xffff, v25;
	v26 =	vmov s31;
	v25 =	vmov s30;
	s31 =	simm.s32 $0xE;
	v30 =	vmov s28  }
0xee: {  	v20 =	vld [tilespmem:s24+$0xF0];
	v58 =	vor.u32 v9, v24;
	v24 =	vmov s31;
	v19 =	vand.u32 $0x79, v26  }
0xef: {  	v26 =	vand.u32 $0x7A, v27;
	v27 =	vld [tilespmem:s24+$0x170];
	v19 =	vor.u32 v9, v19;
	v31 =	vmul.f32 v31, v15  }
0xf0: {  	v15 =	vor.u32 v8, v22;
	v22 =	vor.u32 v8, v23;
	v63 =	vmul.f32 v28, v16;
	v16 =	vld [tilespmem:s24+$0xFFFFFE70]  }
0xf1: {  	[tilespmem:v61+s19+$0x0] =	vst.idx.add.f32.msk $0xffff, v31;
	v28 =	vor.u32 v9, v29;
	v29 =	vand.u32 $0x7C, v30;
	v30 =	vmul.f32 v60, v14  }
0xf2: {  	s26 =	simm.s32 $0x10;
	s28 =	simm.s32 $0xF;
	v26 =	vor.u32 v9, v26;
	v13 =	vmul.f32 v62, v13;
	v14 =	vbroadcast v58, $0x0;
	[tilespmem:v59+s19+$0x0] =	vst.idx.add.f32.msk $0xffff, v63  }
.LBB2_10:
0xf3: {  	p1 =	slt.u32 s26, $0x48;
	v19 =	vbroadcast v19, $0x0;
	v23 =	vmov s28;
	[tilespmem:v18+s19+$0x0] =	vst.idx.add.f32.msk $0xffff, v30;
	v12 =	vmul.f32 v20, v12  }
0xf4: {  	v18 =	vbroadcast v26, $0x0;
	v20 =	vand.u32 $0x7F, v23;
	[tilespmem:v17+s19+$0x0] =	vst.idx.add.f32.msk $0xffff, v13;
	v11 =	vmul.f32 v27, v11  }
0xf5: {  	v13 =	vbroadcast v28, $0x0;
	v17 =	vor.u32 v9, v20;
	v10 =	vmul.f32 v16, v10;
	[tilespmem:v15+s19+$0x0] =	vst.idx.add.f32.msk $0xffff, v12  }
0xf6: {  	v12 =	vor.u32 v9, v29;
	v15 =	vand.u32 $0x7D, v25;
	v16 =	vbroadcast v17, $0x0;
	[tilespmem:v22+s19+$0x0] =	vst.idx.add.f32.msk $0xffff, v11  }
0xf7: {  	v11 =	vbroadcast v12, $0x0;
	v12 =	vor.u32 v9, v15;
	v15 =	vand.u32 $0x7E, v24;
	[tilespmem:v21+s19+$0x0] =	vst.idx.add.f32.msk $0xffff, v10  }
0xf8: {  	v10 =	vbroadcast v12, $0x0;
	v12 =	vor.u32 v9, v15;
	v21 =	vld.idx.msk [tilespmem:v14+s14+$0x0], $0xffff  }
0xf9: {  	s28 =	sadd.s32 s25, s22;
	s25 =	smov.u32 s26;
	v12 =	vbroadcast v12, $0x0;
	v17 =	vld.idx.msk [tilespmem:v19+s14+$0x0], $0xffff  }
0xfa: {  	s29 =	sadd.s32 $0x1, s28;
	s30 =	sadd.s32 $0x2, s28;
	s31 =	sadd.s32 $0x7, s28;
	v14 =	vmov s28;
	v18 =	vld.idx.msk [tilespmem:v18+s14+$0x0], $0xffff  }
0xfb: {  	s1 =	sadd.s32 $0x5, s28;
	v15 =	vmov s29;
	s29 =	sadd.s32 $0x3, s28;
	v19 =	vmov s30;
	s30 =	sadd.s32 $0x4, s28;
	v22 =	vld.idx.msk [tilespmem:v13+s14+$0x0], $0xffff;
	v13 =	vmov s31  }
0xfc: {  	v24 =	vmov s1;
	s1 =	sadd.s32 $0x6, s28;
	v20 =	vmov s29;
	v23 =	vmov s30;
	v16 =	vld.idx.msk [tilespmem:v16+s14+$0x0], $0xffff  }
0xfd: {  	v15 =	vand.u32 $0xFFFFFFF9, v15;
	v19 =	vand.u32 $0xFFFFFFFA, v19;
	v26 =	vld.idx.msk [tilespmem:v11+s14+$0x0], $0xffff;
	v11 =	vmov s1  }
0xfe: {  	v20 =	vand.u32 $0xFFFFFFFB, v20;
	v23 =	vand.u32 $0xFFFFFFFC, v23;
	v27 =	vld.idx.msk [tilespmem:v10+s14+$0x0], $0xffff;
	v10 =	vand.u32 $0xFFFFFFFD, v24  }
0xff: {  	v14 =	vand.u32 $0xFFFFFFF8, v14;
	v15 =	vbroadcast v15, $0x0;
	v11 =	vand.u32 $0xFFFFFFFE, v11;
	v28 =	vld.idx.msk [tilespmem:v12+s14+$0x0], $0xffff  }
0x100: {  	s24 =	sadd.s32 $0x400, s24;
	v12 =	vbroadcast v19, $0x0;
	v19 =	vbroadcast v20, $0x0;
	v24 =	vld.idx.msk [tilespmem:v13+s16+$0x0], $0xffff  }
0x101: {  	v10 =	vbroadcast v10, $0x0;
	v13 =	vbroadcast v23, $0x0;
	v20 =	vld [tilespmem:s24+$0x180]  }
0x102: {  	v11 =	vbroadcast v11, $0x0;
	v23 =	vbroadcast v14, $0x0;
	v25 =	vshll.u32 v16, $0x7;
	v29 =	vld [tilespmem:s24+$0xFFFFFE00]  }
0x103: {  	v31 =	vor.u32 v0, v25;
	v30 =	vld [tilespmem:s24+$0xFFFFFE80]  }
0x104: {  	v32 =	vld [tilespmem:s24+$0xFFFFFF00]  }
0x105: {  	v16 =	vld.idx.msk [tilespmem:v15+s16+$0x0], $0xffff  }
0x106: {  	v15 =	vld.idx.msk [tilespmem:v12+s16+$0x0], $0xffff;
	v12 =	vmul.f32 v20, v24  }
0x107: {  	v14 =	vld.idx.msk [tilespmem:v19+s16+$0x0], $0xffff  }
0x108: {  	[tilespmem:v31+s19+$0x0] =	vst.idx.add.f32.msk $0xffff, v12  }
0x109: {  	v20 =	vld [tilespmem:s24+$0x190]  }
0x10a: {  	v13 =	vld.idx.msk [tilespmem:v13+s16+$0x0], $0xffff  }
0x10b: {  	v31 =	vor.u32 v2, v25;
	v30 =	vmul.f32 v30, v16;
	v12 =	vld.idx.msk [tilespmem:v10+s16+$0x0], $0xffff  }
0x10c: {  	v32 =	vmul.f32 v32, v15;
	v11 =	vld.idx.msk [tilespmem:v11+s16+$0x0], $0xffff  }
0x10d: {  	v10 =	vld.idx.msk [tilespmem:v23+s16+$0x0], $0xffff  }
0x10e: {  	v19 =	vshll.u32 v17, $0x7;
	v23 =	vld [tilespmem:s24+$0xFFFFFF80];
	v17 =	vmul.f32 v20, v24  }
0x10f: {  	v33 =	vor.u32 v0, v19;
	v20 =	vshll.u32 v18, $0x7;
	v34 =	vld [tilespmem:s24+$0x0]  }
0x110: {  	v18 =	vshll.u32 v22, $0x7;
	v35 =	vor.u32 v0, v20;
	[tilespmem:v31+s19+$0x0] =	vst.idx.add.f32.msk $0xffff, v17  }
0x111: {  	v31 =	vor.u32 v0, v18;
	v17 =	vshll.u32 v26, $0x7;
	v26 =	vld [tilespmem:s24+$0x1A0]  }
0x112: {  	v36 =	vor.u32 v0, v17;
	v37 =	vld [tilespmem:s24+$0x80]  }
0x113: {  	v40 =	vor.u32 v3, v25;
	v29 =	vmul.f32 v29, v10;
	v38 =	vmul.f32 v23, v14;
	v39 =	vld [tilespmem:s24+$0x100]  }
0x114: {  	v23 =	vshll.u32 v27, $0x7;
	[tilespmem:v33+s19+$0x0] =	vst.idx.add.f32.msk $0xffff, v30;
	v30 =	vmul.f32 v34, v13  }
0x115: {  	v22 =	vshll.u32 v28, $0x7;
	v27 =	vor.u32 v0, v23;
	[tilespmem:v35+s19+$0x0] =	vst.idx.add.f32.msk $0xffff, v32  }
0x116: {  	v21 =	vshll.u32 v21, $0x7;
	v28 =	vor.u32 v0, v22;
	[tilespmem:v31+s19+$0x0] =	vst.idx.add.f32.msk $0xffff, v38;
	v26 =	vmul.f32 v26, v24  }
0x117: {  	v31 =	vor.u32 v0, v21;
	[tilespmem:v36+s19+$0x0] =	vst.idx.add.f32.msk $0xffff, v30;
	v30 =	vmul.f32 v37, v12  }
0x118: {  	v32 =	vmul.f32 v39, v11;
	[tilespmem:v40+s19+$0x0] =	vst.idx.add.f32.msk $0xffff, v26  }
0x119: {  	v26 =	vld [tilespmem:s24+$0x1B0]  }
0x11a: {  	[tilespmem:v27+s19+$0x0] =	vst.idx.add.f32.msk $0xffff, v30  }
0x11b: {  	v27 =	vor.u32 v4, v25;
	[tilespmem:v28+s19+$0x0] =	vst.idx.add.f32.msk $0xffff, v32  }
0x11c: {  	[tilespmem:v31+s19+$0x0] =	vst.idx.add.f32.msk $0xffff, v29  }
0x11d: {  	v28 =	vld [tilespmem:s24+$0xFFFFFE90]  }
0x11e: {  	v29 =	vld [tilespmem:s24+$0xFFFFFF10];
	v26 =	vmul.f32 v26, v24  }
0x11f: {  	v30 =	vld [tilespmem:s24+$0xFFFFFF90]  }
0x120: {  	[tilespmem:v27+s19+$0x0] =	vst.idx.add.f32.msk $0xffff, v26  }
0x121: {  	v26 =	vor.u32 v2, v19;
	v27 =	vld [tilespmem:s24+$0x1C0]  }
0x122: {  	v31 =	vor.u32 v2, v20;
	v28 =	vmul.f32 v28, v16;
	v32 =	vld [tilespmem:s24+$0x10]  }
0x123: {  	v34 =	vor.u32 v5, v25;
	v29 =	vmul.f32 v29, v15;
	v33 =	vld [tilespmem:s24+$0x90]  }
0x124: {  	v30 =	vmul.f32 v30, v14;
	v35 =	vld [tilespmem:s24+$0x110]  }
0x125: {  	v37 =	vor.u32 v2, v18;
	v36 =	vld [tilespmem:s24+$0xFFFFFE10]  }
0x126: {  	[tilespmem:v26+s19+$0x0] =	vst.idx.add.f32.msk $0xffff, v28;
	v26 =	vor.u32 v2, v17;
	v27 =	vmul.f32 v27, v24  }
0x127: {  	[tilespmem:v31+s19+$0x0] =	vst.idx.add.f32.msk $0xffff, v29;
	v28 =	vmul.f32 v32, v13;
	v29 =	vor.u32 v2, v23  }
0x128: {  	v32 =	vor.u32 v2, v22;
	v31 =	vmul.f32 v33, v12;
	[tilespmem:v34+s19+$0x0] =	vst.idx.add.f32.msk $0xffff, v27  }
0x129: {  	v27 =	vor.u32 v2, v21;
	v33 =	vmul.f32 v35, v11;
	v34 =	vld [tilespmem:s24+$0x1D0]  }
0x12a: {  	v35 =	vmul.f32 v36, v10;
	[tilespmem:v37+s19+$0x0] =	vst.idx.add.f32.msk $0xffff, v30  }
0x12b: {  	[tilespmem:v26+s19+$0x0] =	vst.idx.add.f32.msk $0xffff, v28;
	v26 =	vor.u32 v6, v25  }
0x12c: {  	[tilespmem:v29+s19+$0x0] =	vst.idx.add.f32.msk $0xffff, v31  }
0x12d: {  	[tilespmem:v32+s19+$0x0] =	vst.idx.add.f32.msk $0xffff, v33  }
0x12e: {  	[tilespmem:v27+s19+$0x0] =	vst.idx.add.f32.msk $0xffff, v35;
	v27 =	vmul.f32 v34, v24  }
0x12f: {  	v28 =	vld [tilespmem:s24+$0xFFFFFEA0]  }
0x130: {  	[tilespmem:v26+s19+$0x0] =	vst.idx.add.f32.msk $0xffff, v27  }
0x131: {  	v26 =	vld [tilespmem:s24+$0x1E0]  }
0x132: {  	v27 =	vld [tilespmem:s24+$0xFFFFFF20]  }
0x133: {  	v30 =	vor.u32 v7, v25;
	v29 =	vld [tilespmem:s24+$0xFFFFFFA0]  }
0x134: {  	v28 =	vmul.f32 v28, v16;
	v31 =	vld [tilespmem:s24+$0x20]  }
0x135: {  	v32 =	vor.u32 v3, v19;
	v33 =	vld [tilespmem:s24+$0xA0]  }
0x136: {  	v34 =	vor.u32 v3, v20;
	v35 =	vld [tilespmem:s24+$0x120];
	v26 =	vmul.f32 v26, v24  }
0x137: {  	v37 =	vor.u32 v3, v18;
	v36 =	vld [tilespmem:s24+$0xFFFFFE20];
	v27 =	vmul.f32 v27, v15  }
0x138: {  	v38 =	vor.u32 v3, v17;
	v29 =	vmul.f32 v29, v14;
	[tilespmem:v30+s19+$0x0] =	vst.idx.add.f32.msk $0xffff, v26  }
0x139: {  	v30 =	vor.u32 v3, v23;
	v26 =	vmul.f32 v31, v13;
	v31 =	vld [tilespmem:s24+$0x1F0]  }
0x13a: {  	[tilespmem:v32+s19+$0x0] =	vst.idx.add.f32.msk $0xffff, v28;
	v28 =	vmul.f32 v33, v12;
	v32 =	vor.u32 v3, v22  }
0x13b: {  	v25 =	vor.u32 v8, v25;
	[tilespmem:v34+s19+$0x0] =	vst.idx.add.f32.msk $0xffff, v27;
	v27 =	vmul.f32 v35, v11  }
0x13c: {  	v34 =	vor.u32 v3, v21;
	v33 =	vmul.f32 v36, v10;
	[tilespmem:v37+s19+$0x0] =	vst.idx.add.f32.msk $0xffff, v29  }
0x13d: {  	[tilespmem:v38+s19+$0x0] =	vst.idx.add.f32.msk $0xffff, v26  }
0x13e: {  	[tilespmem:v30+s19+$0x0] =	vst.idx.add.f32.msk $0xffff, v28;
	v24 =	vmul.f32 v31, v24  }
0x13f: {  	[tilespmem:v32+s19+$0x0] =	vst.idx.add.f32.msk $0xffff, v27  }
0x140: {  	[tilespmem:v25+s19+$0x0] =	vst.idx.add.f32.msk $0xffff, v24  }
0x141: {  	[tilespmem:v34+s19+$0x0] =	vst.idx.add.f32.msk $0xffff, v33  }
0x142: {  	v24 =	vld [tilespmem:s24+$0xFFFFFEB0]  }
0x143: {  	v25 =	vld [tilespmem:s24+$0xFFFFFF30]  }
0x144: {  	v26 =	vor.u32 v4, v19;
	v27 =	vld [tilespmem:s24+$0xFFFFFFB0]  }
0x145: {  	v28 =	vor.u32 v4, v20;
	v29 =	vld [tilespmem:s24+$0x30]  }
0x146: {  	v30 =	vor.u32 v4, v18;
	v31 =	vld [tilespmem:s24+$0xB0]  }
0x147: {  	v32 =	vor.u32 v4, v17;
	v24 =	vmul.f32 v24, v16;
	v33 =	vld [tilespmem:s24+$0x130]  }
0x148: {  	v35 =	vor.u32 v4, v23;
	v34 =	vld [tilespmem:s24+$0xFFFFFE30];
	v25 =	vmul.f32 v25, v15  }
0x149: {  	[tilespmem:v26+s19+$0x0] =	vst.idx.add.f32.msk $0xffff, v24;
	v24 =	vmul.f32 v27, v14;
	v26 =	vor.u32 v4, v22  }
0x14a: {  	v27 =	vor.u32 v4, v21;
	[tilespmem:v28+s19+$0x0] =	vst.idx.add.f32.msk $0xffff, v25;
	v25 =	vmul.f32 v29, v13  }
0x14b: {  	[tilespmem:v30+s19+$0x0] =	vst.idx.add.f32.msk $0xffff, v24;
	v24 =	vmul.f32 v31, v12  }
0x14c: {  	[tilespmem:v32+s19+$0x0] =	vst.idx.add.f32.msk $0xffff, v25;
	v25 =	vmul.f32 v33, v11  }
0x14d: {  	v28 =	vmul.f32 v34, v10;
	[tilespmem:v35+s19+$0x0] =	vst.idx.add.f32.msk $0xffff, v24  }
0x14e: {  	[tilespmem:v26+s19+$0x0] =	vst.idx.add.f32.msk $0xffff, v25  }
0x14f: {  	[tilespmem:v27+s19+$0x0] =	vst.idx.add.f32.msk $0xffff, v28  }
0x150: {  	v24 =	vld [tilespmem:s24+$0xFFFFFEC0]  }
0x151: {  	v25 =	vld [tilespmem:s24+$0xFFFFFF40]  }
0x152: {  	v26 =	vor.u32 v5, v19;
	v27 =	vld [tilespmem:s24+$0xFFFFFFC0]  }
0x153: {  	v28 =	vor.u32 v5, v20;
	v29 =	vld [tilespmem:s24+$0x40]  }
0x154: {  	v30 =	vor.u32 v5, v18;
	v31 =	vld [tilespmem:s24+$0xC0]  }
0x155: {  	v32 =	vor.u32 v5, v17;
	v24 =	vmul.f32 v24, v16;
	v33 =	vld [tilespmem:s24+$0x140]  }
0x156: {  	v35 =	vor.u32 v5, v23;
	v34 =	vld [tilespmem:s24+$0xFFFFFE40];
	v25 =	vmul.f32 v25, v15  }
0x157: {  	[tilespmem:v26+s19+$0x0] =	vst.idx.add.f32.msk $0xffff, v24;
	v24 =	vmul.f32 v27, v14;
	v26 =	vor.u32 v5, v22  }
0x158: {  	v27 =	vor.u32 v5, v21;
	[tilespmem:v28+s19+$0x0] =	vst.idx.add.f32.msk $0xffff, v25;
	v25 =	vmul.f32 v29, v13  }
0x159: {  	[tilespmem:v30+s19+$0x0] =	vst.idx.add.f32.msk $0xffff, v24;
	v24 =	vmul.f32 v31, v12  }
0x15a: {  	[tilespmem:v32+s19+$0x0] =	vst.idx.add.f32.msk $0xffff, v25;
	v25 =	vmul.f32 v33, v11  }
0x15b: {  	v28 =	vmul.f32 v34, v10;
	[tilespmem:v35+s19+$0x0] =	vst.idx.add.f32.msk $0xffff, v24  }
0x15c: {  	[tilespmem:v26+s19+$0x0] =	vst.idx.add.f32.msk $0xffff, v25  }
0x15d: {  	[tilespmem:v27+s19+$0x0] =	vst.idx.add.f32.msk $0xffff, v28  }
0x15e: {  	v24 =	vld [tilespmem:s24+$0xFFFFFED0]  }
0x15f: {  	v25 =	vld [tilespmem:s24+$0xFFFFFF50]  }
0x160: {  	v26 =	vor.u32 v6, v19;
	v27 =	vld [tilespmem:s24+$0xFFFFFFD0]  }
0x161: {  	v28 =	vor.u32 v6, v20;
	v29 =	vld [tilespmem:s24+$0x50]  }
0x162: {  	v30 =	vor.u32 v6, v18;
	v31 =	vld [tilespmem:s24+$0xD0]  }
0x163: {  	v32 =	vor.u32 v6, v17;
	v24 =	vmul.f32 v24, v16;
	v33 =	vld [tilespmem:s24+$0x150]  }
0x164: {  	v35 =	vor.u32 v6, v23;
	v34 =	vld [tilespmem:s24+$0xFFFFFE50];
	v25 =	vmul.f32 v25, v15  }
0x165: {  	[tilespmem:v26+s19+$0x0] =	vst.idx.add.f32.msk $0xffff, v24;
	v24 =	vmul.f32 v27, v14;
	v26 =	vor.u32 v6, v22  }
0x166: {  	v27 =	vor.u32 v6, v21;
	[tilespmem:v28+s19+$0x0] =	vst.idx.add.f32.msk $0xffff, v25;
	v25 =	vmul.f32 v29, v13  }
0x167: {  	[tilespmem:v30+s19+$0x0] =	vst.idx.add.f32.msk $0xffff, v24;
	v24 =	vmul.f32 v31, v12  }
0x168: {  	[tilespmem:v32+s19+$0x0] =	vst.idx.add.f32.msk $0xffff, v25;
	v25 =	vmul.f32 v33, v11  }
0x169: {  	v28 =	vmul.f32 v34, v10;
	[tilespmem:v35+s19+$0x0] =	vst.idx.add.f32.msk $0xffff, v24  }
0x16a: {  	[tilespmem:v26+s19+$0x0] =	vst.idx.add.f32.msk $0xffff, v25  }
0x16b: {  	[tilespmem:v27+s19+$0x0] =	vst.idx.add.f32.msk $0xffff, v28  }
0x16c: {  	v24 =	vld [tilespmem:s24+$0xFFFFFEE0]  }
0x16d: {  	v25 =	vld [tilespmem:s24+$0xFFFFFF60]  }
0x16e: {  	v26 =	vor.u32 v7, v19;
	v27 =	vld [tilespmem:s24+$0xFFFFFFE0]  }
0x16f: {  	v28 =	vor.u32 v7, v20;
	v29 =	vld [tilespmem:s24+$0x60]  }
0x170: {  	v30 =	vor.u32 v7, v18;
	v31 =	vld [tilespmem:s24+$0xE0]  }
0x171: {  	v32 =	vor.u32 v7, v17;
	v24 =	vmul.f32 v24, v16;
	v33 =	vld [tilespmem:s24+$0x160]  }
0x172: {  	v35 =	vor.u32 v7, v23;
	v34 =	vld [tilespmem:s24+$0xFFFFFE60];
	v25 =	vmul.f32 v25, v15  }
0x173: {  	[tilespmem:v26+s19+$0x0] =	vst.idx.add.f32.msk $0xffff, v24;
	v24 =	vmul.f32 v27, v14;
	v26 =	vor.u32 v7, v22  }
0x174: {  	v27 =	vor.u32 v7, v21;
	[tilespmem:v28+s19+$0x0] =	vst.idx.add.f32.msk $0xffff, v25;
	v25 =	vmul.f32 v29, v13  }
0x175: {  	[tilespmem:v30+s19+$0x0] =	vst.idx.add.f32.msk $0xffff, v24;
	v24 =	vmul.f32 v31, v12  }
0x176: {  	[tilespmem:v32+s19+$0x0] =	vst.idx.add.f32.msk $0xffff, v25;
	v25 =	vmul.f32 v33, v11  }
0x177: {  	v28 =	vmul.f32 v34, v10;
	[tilespmem:v35+s19+$0x0] =	vst.idx.add.f32.msk $0xffff, v24  }
0x178: {  	[tilespmem:v26+s19+$0x0] =	vst.idx.add.f32.msk $0xffff, v25  }
0x179: {  	s28 =	sadd.s32 $0x2, s26;
	s1 =	sadd.s32 $0x1, s26;
	v24 =	vmov s26;
	[tilespmem:v27+s19+$0x0] =	vst.idx.add.f32.msk $0xffff, v28  }
0x17a: {  	s29 =	sadd.s32 $0x5, s26;
	v24 =	vand.u32 $0x78, v24;
	v26 =	vmov s1;
	s1 =	sadd.s32 $0x3, s26;
	v27 =	vmov s28;
	s28 =	sadd.s32 $0x4, s26;
	v28 =	vld [tilespmem:s24+$0xFFFFFEF0]  }
0x17b: {  	v25 =	vmov s29;
	v29 =	vmov s1;
	s1 =	sadd.s32 $0x6, s26;
	v30 =	vmov s28;
	v31 =	vld [tilespmem:s24+$0xFFFFFF70]  }
0x17c: {  	v33 =	vor.u32 v8, v19;
	v32 =	vor.u32 v9, v24;
	v24 =	vmov s1;
	v34 =	vld [tilespmem:s24+$0xFFFFFFF0]  }
0x17d: {  	v35 =	vor.u32 v8, v20;
	v19 =	vand.u32 $0x79, v26;
	v26 =	vand.u32 $0x7A, v27;
	v36 =	vld [tilespmem:s24+$0x70]  }
.Ltmp3:
0x17e: {  	v18 =	vor.u32 v8, v18;
	v19 =	vor.u32 v9, v19;
	v29 =	vand.u32 $0x7B, v29;
	v20 =	vld [tilespmem:s24+$0xF0];
	(pc) =	sbr.rel @p1 .LBB2_10-.Ltmp3, $4  }
0x17f: {  	v17 =	vor.u32 v8, v17;
	v26 =	vor.u32 v9, v26;
	v37 =	vmul.f32 v28, v16;
	v27 =	vld [tilespmem:s24+$0x170]  }
0x180: {  	v28 =	vor.u32 v9, v29;
	v16 =	vld [tilespmem:s24+$0xFFFFFE70];
	v31 =	vmul.f32 v31, v15;
	v15 =	vor.u32 v8, v23  }
0x181: {  	v22 =	vor.u32 v8, v22;
	v29 =	vand.u32 $0x7C, v30;
	[tilespmem:v33+s19+$0x0] =	vst.idx.add.f32.msk $0xffff, v37;
	v30 =	vmul.f32 v34, v14  }
0x182: {  	v21 =	vor.u32 v8, v21;
	s26 =	sadd.s32 $0x8, s26;
	s28 =	sadd.s32 $0x7, s25;
	v14 =	vbroadcast v32, $0x0;
	[tilespmem:v35+s19+$0x0] =	vst.idx.add.f32.msk $0xffff, v31;
	v13 =	vmul.f32 v36, v13  }
0x183: {  	_ =	sdelay $0x3  }
0x184: {  	[tilespmem:v18+s19+$0x0] =	vst.idx.add.f32.msk $0xffff, v30  }
0x185: {  	[tilespmem:v17+s19+$0x0] =	vst.idx.add.f32.msk $0xffff, v13  }
0x186: {  	s24 =	sadd.s32 $0x400, s24;
	v48 =	vld.idx.msk [tilespmem:v14+s14+$0x0], $0xffff  }
0x187: {  	v58 =	vld [tilespmem:s24+$0xFFFFFE00]  }
0x188: {  	v19 =	vbroadcast v19, $0x0;
	v60 =	vld [tilespmem:s24+$0xFFFFFE80]  }
0x189: {  	v23 =	vmov s28;
	v12 =	vmul.f32 v20, v12;
	v43 =	vor.u32 v9, v29;
	v63 =	vld [tilespmem:s24+$0xFFFFFF00]  }
0x18a: {  	v44 =	vand.u32 $0x7D, v25;
	s1 =	sadd.s32 s25, s22;
	v40 =	vand.u32 $0x7F, v23;
	v11 =	vmul.f32 v27, v11;
	v33 =	vld [tilespmem:s24+$0x0]  }
0x18b: {  	v47 =	vand.u32 $0x7E, v24;
	s25 =	sadd.s32 $0x7, s1;
	s31 =	sadd.s32 $0x1, s1;
	v42 =	vor.u32 v9, v40;
	v10 =	vmul.f32 v16, v10;
	[tilespmem:v15+s19+$0x0] =	vst.idx.add.f32.msk $0xffff, v12  }
0x18c: {  	v51 =	vmov s25;
	v53 =	vmov s31;
	s31 =	sadd.s32 $0x6, s1;
	v40 =	vld [tilespmem:s24+$0xFFFFFF80];
	v45 =	vbroadcast v42, $0x0  }
0x18d: {  	v46 =	vor.u32 v9, v44;
	[tilespmem:v22+s19+$0x0] =	vst.idx.add.f32.msk $0xffff, v11;
	v11 =	vbroadcast v43, $0x0;
	v62 =	vmov s31  }
0x18e: {  	v9 =	vor.u32 v9, v47;
	[tilespmem:v21+s19+$0x0] =	vst.idx.add.f32.msk $0xffff, v10;
	v10 =	vbroadcast v46, $0x0;
	v35 =	vand.u32 $0xFFFFFFFE, v62  }
0x18f: {  	v9 =	vbroadcast v9, $0x0;
	v14 =	vand.u32 $0xFFFFFFF9, v53;
	v37 =	vbroadcast v35, $0x0;
	v35 =	vld [tilespmem:s24+$0x80]  }
0x190: {  	v14 =	vbroadcast v14, $0x0;
	v49 =	vld.idx.msk [tilespmem:v19+s14+$0x0], $0xffff  }
0x191: {  	s29 =	sadd.s32 $0x4, s1;
	v23 =	vld.idx.msk [tilespmem:v51+s16+$0x0], $0xffff  }
0x192: {  	v39 =	vbroadcast v26, $0x0;
	s26 =	sadd.s32 $0x2, s1;
	v57 =	vmov s29;
	v52 =	vld.idx.msk [tilespmem:v45+s14+$0x0], $0xffff  }
0x193: {  	v41 =	vbroadcast v28, $0x0;
	s28 =	sadd.s32 $0x3, s1;
	v12 =	vand.u32 $0xFFFFFFFC, v57;
	v54 =	vld.idx.msk [tilespmem:v11+s14+$0x0], $0xffff;
	v11 =	vmov s26  }
0x194: {  	v12 =	vbroadcast v12, $0x0;
	v55 =	vld.idx.msk [tilespmem:v10+s14+$0x0], $0xffff;
	v10 =	vmov s28;
	v11 =	vand.u32 $0xFFFFFFFA, v11  }
0x195: {  	v56 =	vld.idx.msk [tilespmem:v9+s14+$0x0], $0xffff;
	v9 =	vand.u32 $0xFFFFFFFB, v10;
	v10 =	vbroadcast v11, $0x0  }
0x196: {  	s30 =	sadd.s32 $0x5, s1;
	v15 =	vld.idx.msk [tilespmem:v14+s16+$0x0], $0xffff  }
0x197: {  	v59 =	vmov s30;
	v11 =	vld [tilespmem:s24+$0x180];
	v16 =	vshll.u32 v49, $0x7  }
0x198: {  	v13 =	vand.u32 $0xFFFFFFFD, v59;
	v18 =	vld.idx.msk [tilespmem:v39+s14+$0x0], $0xffff;
	v9 =	vbroadcast v9, $0x0;
	v32 =	vor.u32 v0, v16  }
0x199: {  	v31 =	vbroadcast v13, $0x0;
	v50 =	vld.idx.msk [tilespmem:v41+s14+$0x0], $0xffff  }
0x19a: {  	v34 =	vmov s1;
	v12 =	vld.idx.msk [tilespmem:v12+s16+$0x0], $0xffff  }
0x19b: {  	v36 =	vand.u32 $0xFFFFFFF8, v34;
	v24 =	vshll.u32 v52, $0x7;
	v42 =	vmul.f32 v60, v15;
	v13 =	vld.idx.msk [tilespmem:v10+s16+$0x0], $0xffff  }
0x19c: {  	v61 =	vor.u32 v0, v24;
	v10 =	vmul.f32 v11, v23;
	v11 =	vbroadcast v36, $0x0;
	v36 =	vld [tilespmem:s24+$0x100]  }
0x19d: {  	v19 =	vshll.u32 v54, $0x7;
	[tilespmem:v32+s19+$0x0] =	vst.idx.add.f32.msk $0xffff, v42  }
0x19e: {  	v43 =	vor.u32 v0, v19;
	v14 =	vld.idx.msk [tilespmem:v9+s16+$0x0], $0xffff  }
0x19f: {  	v9 =	vld.idx.msk [tilespmem:v31+s16+$0x0], $0xffff  }
0x1a0: {  	v17 =	vshll.u32 v18, $0x7;
	v52 =	vld [tilespmem:s24+$0xFFFFFE90]  }
0x1a1: {  	v18 =	vshll.u32 v50, $0x7;
	v34 =	vor.u32 v0, v17;
	v44 =	vmul.f32 v33, v12;
	[tilespmem:v61+s19+$0x0] =	vst.idx.add.f32.msk $0xffff, v10  }
0x1a2: {  	v41 =	vor.u32 v0, v18;
	v20 =	vshll.u32 v55, $0x7;
	v10 =	vld.idx.msk [tilespmem:v37+s16+$0x0], $0xffff  }
0x1a3: {  	v45 =	vor.u32 v0, v20;
	[tilespmem:v43+s19+$0x0] =	vst.idx.add.f32.msk $0xffff, v44  }
0x1a4: {  	v38 =	vld [tilespmem:s24+$0x190];
	v28 =	vmul.f32 v63, v13  }
0x1a5: {  	v11 =	vld.idx.msk [tilespmem:v11+s16+$0x0], $0xffff;
	v29 =	vmul.f32 v40, v14  }
0x1a6: {  	v22 =	vshll.u32 v48, $0x7;
	v21 =	vshll.u32 v56, $0x7;
	v48 =	vmul.f32 v35, v9;
	[tilespmem:v34+s19+$0x0] =	vst.idx.add.f32.msk $0xffff, v28  }
0x1a7: {  	v25 =	vor.u32 v0, v21;
	[tilespmem:v41+s19+$0x0] =	vst.idx.add.f32.msk $0xffff, v29  }
0x1a8: {  	v39 =	vor.u32 v2, v24;
	[tilespmem:v45+s19+$0x0] =	vst.idx.add.f32.msk $0xffff, v48  }
0x1a9: {  	v53 =	vld [tilespmem:s24+$0xFFFFFF10]  }
0x1aa: {  	v49 =	vmul.f32 v36, v10;
	v55 =	vld [tilespmem:s24+$0xFFFFFF90]  }
0x1ab: {  	v30 =	vmul.f32 v38, v23;
	v59 =	vld [tilespmem:s24+$0x90]  }
0x1ac: {  	v47 =	vor.u32 v0, v22;
	[tilespmem:v25+s19+$0x0] =	vst.idx.add.f32.msk $0xffff, v49  }
0x1ad: {  	[tilespmem:v39+s19+$0x0] =	vst.idx.add.f32.msk $0xffff, v30  }
0x1ae: {  	v56 =	vor.u32 v2, v16;
	v26 =	vmul.f32 v58, v11;
	v58 =	vld [tilespmem:s24+$0x10]  }
0x1af: {  	v57 =	vor.u32 v2, v17;
	v61 =	vld [tilespmem:s24+$0x110]  }
0x1b0: {  	v63 =	vor.u32 v2, v18;
	v31 =	vld [tilespmem:s24+$0x1A0]  }
0x1b1: {  	v39 =	vor.u32 v2, v20;
	[tilespmem:v47+s19+$0x0] =	vst.idx.add.f32.msk $0xffff, v26;
	v26 =	vmul.f32 v52, v15  }
0x1b2: {  	v27 =	vmul.f32 v53, v13;
	v62 =	vld [tilespmem:s24+$0xFFFFFE10]  }
0x1b3: {  	v40 =	vmul.f32 v55, v14;
	[tilespmem:v56+s19+$0x0] =	vst.idx.add.f32.msk $0xffff, v26  }
0x1b4: {  	v41 =	vor.u32 v2, v21;
	v32 =	vmul.f32 v59, v9;
	[tilespmem:v57+s19+$0x0] =	vst.idx.add.f32.msk $0xffff, v27  }
0x1b5: {  	v37 =	vor.u32 v3, v24;
	[tilespmem:v63+s19+$0x0] =	vst.idx.add.f32.msk $0xffff, v40  }
0x1b6: {  	[tilespmem:v39+s19+$0x0] =	vst.idx.add.f32.msk $0xffff, v32  }
0x1b7: {  	v45 =	vmul.f32 v61, v10;
	v49 =	vld [tilespmem:s24+$0xFFFFFEA0]  }
0x1b8: {  	v43 =	vor.u32 v2, v22;
	v46 =	vmul.f32 v31, v23;
	v32 =	vld [tilespmem:s24+$0xA0]  }
0x1b9: {  	[tilespmem:v41+s19+$0x0] =	vst.idx.add.f32.msk $0xffff, v45  }
0x1ba: {  	[tilespmem:v37+s19+$0x0] =	vst.idx.add.f32.msk $0xffff, v46;
	v37 =	vor.u32 v2, v19  }
0x1bb: {  	v61 =	vor.u32 v3, v20;
	v47 =	vmul.f32 v62, v11;
	v50 =	vld [tilespmem:s24+$0x1B0]  }
0x1bc: {  	v56 =	vld [tilespmem:s24+$0x120]  }
0x1bd: {  	v51 =	vor.u32 v4, v24;
	v42 =	vmul.f32 v58, v12;
	[tilespmem:v43+s19+$0x0] =	vst.idx.add.f32.msk $0xffff, v47  }
0x1be: {  	v57 =	vld [tilespmem:s24+$0xFFFFFE20];
	v63 =	vmul.f32 v32, v9  }
0x1bf: {  	[tilespmem:v37+s19+$0x0] =	vst.idx.add.f32.msk $0xffff, v42  }
0x1c0: {  	[tilespmem:v61+s19+$0x0] =	vst.idx.add.f32.msk $0xffff, v63;
	v54 =	vmul.f32 v50, v23  }
0x1c1: {  	v62 =	vor.u32 v3, v21;
	v53 =	vld [tilespmem:s24+$0x20]  }
0x1c2: {  	[tilespmem:v51+s19+$0x0] =	vst.idx.add.f32.msk $0xffff, v54;
	v54 =	vor.u32 v3, v16  }
0x1c3: {  	v59 =	vor.u32 v3, v19;
	v28 =	vld [tilespmem:s24+$0x1C0]  }
0x1c4: {  	v36 =	vmul.f32 v56, v10;
	v51 =	vld [tilespmem:s24+$0xFFFFFFA0]  }
0x1c5: {  	v60 =	vor.u32 v5, v24;
	v27 =	vmul.f32 v49, v15;
	v50 =	vld [tilespmem:s24+$0xFFFFFF20]  }
0x1c6: {  	v58 =	vor.u32 v3, v18;
	[tilespmem:v62+s19+$0x0] =	vst.idx.add.f32.msk $0xffff, v36;
	v30 =	vmul.f32 v53, v12  }
0x1c7: {  	[tilespmem:v54+s19+$0x0] =	vst.idx.add.f32.msk $0xffff, v27  }
0x1c8: {  	[tilespmem:v59+s19+$0x0] =	vst.idx.add.f32.msk $0xffff, v30;
	v38 =	vmul.f32 v28, v23  }
0x1c9: {  	v55 =	vor.u32 v3, v17;
	v28 =	vmul.f32 v51, v14;
	v39 =	vld [tilespmem:s24+$0xFFFFFEB0]  }
0x1ca: {  	v33 =	vor.u32 v3, v22;
	[tilespmem:v60+s19+$0x0] =	vst.idx.add.f32.msk $0xffff, v38  }
0x1cb: {  	[tilespmem:v58+s19+$0x0] =	vst.idx.add.f32.msk $0xffff, v28  }
0x1cc: {  	v60 =	vmul.f32 v50, v13;
	v44 =	vld [tilespmem:s24+$0x1D0]  }
0x1cd: {  	v38 =	vmul.f32 v57, v11;
	v42 =	vld [tilespmem:s24+$0xFFFFFFB0]  }
0x1ce: {  	v46 =	vor.u32 v6, v24;
	[tilespmem:v55+s19+$0x0] =	vst.idx.add.f32.msk $0xffff, v60  }
0x1cf: {  	[tilespmem:v33+s19+$0x0] =	vst.idx.add.f32.msk $0xffff, v38  }
0x1d0: {  	v40 =	vld [tilespmem:s24+$0xFFFFFF30]  }
0x1d1: {  	v49 =	vld [tilespmem:s24+$0xFFFFFE30];
	v48 =	vmul.f32 v44, v23  }
0x1d2: {  	v45 =	vor.u32 v4, v18;
	v44 =	vld [tilespmem:s24+$0x30]  }
0x1d3: {  	[tilespmem:v46+s19+$0x0] =	vst.idx.add.f32.msk $0xffff, v48  }
0x1d4: {  	v53 =	vor.u32 v4, v22;
	v46 =	vld [tilespmem:s24+$0xB0]  }
0x1d5: {  	v47 =	vor.u32 v4, v19;
	v51 =	vmul.f32 v42, v14;
	v25 =	vld [tilespmem:s24+$0x1E0]  }
0x1d6: {  	v48 =	vld [tilespmem:s24+$0x130]  }
0x1d7: {  	v52 =	vor.u32 v7, v24;
	[tilespmem:v45+s19+$0x0] =	vst.idx.add.f32.msk $0xffff, v51;
	v57 =	vmul.f32 v49, v11  }
0x1d8: {  	v50 =	vor.u32 v4, v20;
	v61 =	vld [tilespmem:s24+$0xFFFFFFC0];
	v54 =	vmul.f32 v44, v12  }
0x1d9: {  	[tilespmem:v53+s19+$0x0] =	vst.idx.add.f32.msk $0xffff, v57  }
0x1da: {  	[tilespmem:v47+s19+$0x0] =	vst.idx.add.f32.msk $0xffff, v54;
	v25 =	vmul.f32 v25, v23  }
0x1db: {  	v36 =	vor.u32 v5, v18;
	v55 =	vmul.f32 v46, v9;
	v63 =	vld [tilespmem:s24+$0x40]  }
0x1dc: {  	[tilespmem:v52+s19+$0x0] =	vst.idx.add.f32.msk $0xffff, v25;
	v52 =	vor.u32 v4, v21  }
0x1dd: {  	v38 =	vor.u32 v5, v19;
	[tilespmem:v50+s19+$0x0] =	vst.idx.add.f32.msk $0xffff, v55  }
0x1de: {  	v42 =	vmul.f32 v61, v14;
	v29 =	vld [tilespmem:s24+$0x1F0]  }
0x1df: {  	v56 =	vmul.f32 v48, v10;
	v37 =	vld [tilespmem:s24+$0xC0]  }
0x1e0: {  	v24 =	vor.u32 v8, v24;
	[tilespmem:v36+s19+$0x0] =	vst.idx.add.f32.msk $0xffff, v42;
	v45 =	vmul.f32 v63, v12  }
0x1e1: {  	[tilespmem:v52+s19+$0x0] =	vst.idx.add.f32.msk $0xffff, v56  }
0x1e2: {  	[tilespmem:v38+s19+$0x0] =	vst.idx.add.f32.msk $0xffff, v45  }
0x1e3: {  	v41 =	vor.u32 v4, v16;
	v52 =	vld [tilespmem:s24+$0xFFFFFFD0];
	v23 =	vmul.f32 v29, v23  }
0x1e4: {  	v43 =	vor.u32 v4, v17;
	v54 =	vld [tilespmem:s24+$0x50]  }
0x1e5: {  	[tilespmem:v24+s19+$0x0] =	vst.idx.add.f32.msk $0xffff, v23  }
0x1e6: {  	v23 =	vmul.f32 v39, v15;
	v39 =	vld [tilespmem:s24+$0x140]  }
0x1e7: {  	v55 =	vor.u32 v6, v18;
	v24 =	vmul.f32 v40, v13;
	v40 =	vld [tilespmem:s24+$0xFFFFFE40]  }
0x1e8: {  	v57 =	vor.u32 v6, v19;
	[tilespmem:v41+s19+$0x0] =	vst.idx.add.f32.msk $0xffff, v23  }
0x1e9: {  	[tilespmem:v43+s19+$0x0] =	vst.idx.add.f32.msk $0xffff, v24  }
0x1ea: {  	v41 =	vor.u32 v5, v20;
	v61 =	vmul.f32 v52, v14;
	v58 =	vld [tilespmem:s24+$0xFFFFFEC0]  }
0x1eb: {  	v43 =	vor.u32 v5, v21;
	v59 =	vld [tilespmem:s24+$0xFFFFFF40];
	v28 =	vmul.f32 v54, v12  }
0x1ec: {  	v44 =	vor.u32 v5, v22;
	[tilespmem:v55+s19+$0x0] =	vst.idx.add.f32.msk $0xffff, v61  }
0x1ed: {  	v46 =	vmul.f32 v37, v9;
	[tilespmem:v57+s19+$0x0] =	vst.idx.add.f32.msk $0xffff, v28  }
0x1ee: {  	v47 =	vmul.f32 v39, v10;
	v39 =	vld [tilespmem:s24+$0xFFFFFFE0]  }
0x1ef: {  	v48 =	vmul.f32 v40, v11;
	[tilespmem:v41+s19+$0x0] =	vst.idx.add.f32.msk $0xffff, v46  }
0x1f0: {  	[tilespmem:v43+s19+$0x0] =	vst.idx.add.f32.msk $0xffff, v47  }
0x1f1: {  	v60 =	vor.u32 v5, v16;
	[tilespmem:v44+s19+$0x0] =	vst.idx.add.f32.msk $0xffff, v48  }
0x1f2: {  	v62 =	vor.u32 v5, v17;
	v41 =	vld [tilespmem:s24+$0x60]  }
0x1f3: {  	v56 =	vld [tilespmem:s24+$0xD0]  }
0x1f4: {  	v23 =	vmul.f32 v58, v15;
	v58 =	vld [tilespmem:s24+$0x150]  }
0x1f5: {  	v42 =	vor.u32 v7, v18;
	v24 =	vmul.f32 v59, v13;
	v59 =	vld [tilespmem:s24+$0xFFFFFE50]  }
0x1f6: {  	[tilespmem:v60+s19+$0x0] =	vst.idx.add.f32.msk $0xffff, v23  }
0x1f7: {  	[tilespmem:v62+s19+$0x0] =	vst.idx.add.f32.msk $0xffff, v24;
	v60 =	vor.u32 v6, v20  }
0x1f8: {  	v62 =	vor.u32 v6, v21;
	v48 =	vmul.f32 v39, v14;
	v49 =	vld [tilespmem:s24+$0xFFFFFED0]  }
0x1f9: {  	v63 =	vor.u32 v6, v22;
	v50 =	vld [tilespmem:s24+$0xFFFFFF50]  }
0x1fa: {  	[tilespmem:v42+s19+$0x0] =	vst.idx.add.f32.msk $0xffff, v48;
	v30 =	vmul.f32 v56, v9  }
0x1fb: {  	v32 =	vmul.f32 v58, v10;
	v57 =	vld [tilespmem:s24+$0xFFFFFFF0]  }
0x1fc: {  	v35 =	vmul.f32 v59, v11;
	[tilespmem:v60+s19+$0x0] =	vst.idx.add.f32.msk $0xffff, v30  }
0x1fd: {  	v51 =	vor.u32 v6, v16;
	[tilespmem:v62+s19+$0x0] =	vst.idx.add.f32.msk $0xffff, v32  }
0x1fe: {  	v53 =	vor.u32 v6, v17;
	[tilespmem:v63+s19+$0x0] =	vst.idx.add.f32.msk $0xffff, v35  }
0x1ff: {  	v43 =	vld [tilespmem:s24+$0xE0]  }
0x200: {  	v23 =	vmul.f32 v49, v15;
	v45 =	vld [tilespmem:s24+$0x160]  }
0x201: {  	v44 =	vor.u32 v7, v19;
	v24 =	vmul.f32 v50, v13;
	v46 =	vld [tilespmem:s24+$0xFFFFFE60]  }
0x202: {  	[tilespmem:v51+s19+$0x0] =	vst.idx.add.f32.msk $0xffff, v23  }
0x203: {  	v47 =	vor.u32 v7, v20;
	[tilespmem:v53+s19+$0x0] =	vst.idx.add.f32.msk $0xffff, v24  }
0x204: {  	v49 =	vor.u32 v7, v21;
	v51 =	vmul.f32 v41, v12;
	v36 =	vld [tilespmem:s24+$0xFFFFFEE0]  }
0x205: {  	v50 =	vor.u32 v7, v22;
	v37 =	vld [tilespmem:s24+$0xFFFFFF60]  }
0x206: {  	[tilespmem:v44+s19+$0x0] =	vst.idx.add.f32.msk $0xffff, v51;
	v52 =	vmul.f32 v43, v9  }
0x207: {  	v53 =	vmul.f32 v45, v10;
	v58 =	vld [tilespmem:s24+$0x70]  }
0x208: {  	v54 =	vmul.f32 v46, v11;
	[tilespmem:v47+s19+$0x0] =	vst.idx.add.f32.msk $0xffff, v52  }
0x209: {  	v38 =	vor.u32 v7, v16;
	[tilespmem:v49+s19+$0x0] =	vst.idx.add.f32.msk $0xffff, v53  }
0x20a: {  	v40 =	vor.u32 v7, v17;
	[tilespmem:v50+s19+$0x0] =	vst.idx.add.f32.msk $0xffff, v54  }
0x20b: {  	v59 =	vld [tilespmem:s24+$0xF0]  }
0x20c: {  	v23 =	vmul.f32 v36, v15;
	v60 =	vld [tilespmem:s24+$0x170]  }
0x20d: {  	v18 =	vor.u32 v8, v18;
	v24 =	vmul.f32 v37, v13;
	v61 =	vld [tilespmem:s24+$0xFFFFFE70]  }
0x20e: {  	v19 =	vor.u32 v8, v19;
	[tilespmem:v38+s19+$0x0] =	vst.idx.add.f32.msk $0xffff, v23  }
0x20f: {  	v20 =	vor.u32 v8, v20;
	[tilespmem:v40+s19+$0x0] =	vst.idx.add.f32.msk $0xffff, v24  }
0x210: {  	v62 =	vor.u32 v8, v21;
	v14 =	vmul.f32 v57, v14;
	v55 =	vld [tilespmem:s24+$0xFFFFFEF0]  }
0x211: {  	v63 =	vor.u32 v8, v22;
	v12 =	vmul.f32 v58, v12;
	v56 =	vld [tilespmem:s24+$0xFFFFFF70]  }
0x212: {  	v16 =	vor.u32 v8, v16;
	[tilespmem:v18+s19+$0x0] =	vst.idx.add.f32.msk $0xffff, v14;
	v9 =	vmul.f32 v59, v9  }
0x213: {  	v17 =	vor.u32 v8, v17;
	[tilespmem:v19+s19+$0x0] =	vst.idx.add.f32.msk $0xffff, v12;
	v10 =	vmul.f32 v60, v10  }
0x214: {  	v11 =	vmul.f32 v61, v11;
	[tilespmem:v20+s19+$0x0] =	vst.idx.add.f32.msk $0xffff, v9  }
0x215: {  	[tilespmem:v62+s19+$0x0] =	vst.idx.add.f32.msk $0xffff, v10;
	v15 =	vmul.f32 v55, v15  }
0x216: {  	[tilespmem:v63+s19+$0x0] =	vst.idx.add.f32.msk $0xffff, v11;
	v13 =	vmul.f32 v56, v13  }
0x217: {  	[tilespmem:v16+s19+$0x0] =	vst.idx.add.f32.msk $0xffff, v15  }
0x218: {  	[tilespmem:v17+s19+$0x0] =	vst.idx.add.f32.msk $0xffff, v13  }
0x219: {  	p1 =	seq.s32 s23, $0x7D  }
.Ltmp4:
0x21a: {  	_ = 	snop;
	(pc) =	sbr.rel @!p1 .LBB2_9-.Ltmp4, $2  }
0x21b: {  	_ =	sdelay $0x2  }
0x21c: {  	s22 =	sadd.s32 $0x50, s22;
	p0 =	por !p0, !p0  }
0x21d: {  	s20 =	sadd.s32 $0x1, s20  }
0x21e: {  	p0 =	sne.s32 s20, s11  }
.Ltmp5:
0x21f: {  	_ = 	snop;
	(pc) =	sbr.rel @p0 .LBB2_1-.Ltmp5, $4  }
0x220: {  	[hbm4b:s10+s3] =	stream.linear.scatter [tilespmem:s19], [sflag:$0x2], $0x10000, $0x38;
	[tilespmem:$0x1E500] =	vst v63  }
0x221: {  	_ =	swait.ge [sflag:s12], $0x10000  }
0x222: {  	[sflag:s12] =	ssyncset.done $0x0  }
0x223: {  	[sflag:s12] =	ssyncadd.s32 $0xFFFF0000  }
0x224: {  	_ =	sfence.sel $0x180000  }
0x225: {  	[bflag:$0x0] =	sbarrier.arrive $0xFFFF  }
0x226: {  	_ =	strace $0x9000004A  }
0x227: {  	[bflag:$0x2] =	sbarrier.arrive $0xFFFF  }
0x228: {  	p0 =	sne.s32 s0, $0x0;
	s0 =	rddreg [dreg:$0x2]  }
0x229: {  	s0 =	sadd.s32 @!p0 $0x100000, s0  }
0x22a: {  	[sflag:s0] =	ssyncadd.tile.s32 @!p0 $0x1;
	_ =	shalt  }
.Lfunc_end2:
_tile_overlayer_lowered:
.L_overlay_start_2:
0x22b: {  	(tag) =	ssettag $0x2  }
0x22c: {  	s0 =	rddreg [dreg:$0x0];
	s2 =	stileid.u32  }
0x22d: {  	s1 =	rddreg [dreg:$0x1];
	p0 =	sne.s32 s2, $0x0  }
0x22e: {  	s3 =	rddreg [dreg:$0x2];
	[bflag:$0x3] =	sbarrier.arrive $0xFFFF;
	s2 =	simm.s32 @!p0 $0x1C02  }
0x22f: {  	[timem:s3], [sflag:s2] =	dma.local @!p0 [hbm:s0], s1  }
0x230: {  	s0 =	simm.s32 @!p0 $0x2  }
0x231: {  	_ =	swait.ge @!p0 [sflag:s0], s1  }
0x232: {  	s1 =	ssub.s32 @!p0 $0x0, s1;
	[sflag:s0] =	ssyncset.done @!p0 $0x0  }
0x233: {  	[sflag:s0] =	ssyncadd.s32 @!p0 s1  }
0x234: {  	[bflag:$0x3] =	sbarrier.arrive $0xFFFF  }
0x235: {  	_ =	shalt  }

</sc_bundles>
